<compile_context>
chip_gen: v7x
topology: tpu7x:2x2x1
jax: 0.10.2.dev20260603
libtpu: 0.0.44.dev20260713+nightly
codegen_flags: <defaults>
</compile_context>

<pallas_src>
import functools

import jax
import jax.numpy as jnp
from jax import lax
from jax.experimental import pallas as pl
from jax.experimental.pallas import tpu as pltpu
from jax.experimental.pallas import tpu_sc as plsc

N = 10000
D = 128
R = 4
E = 320000

NC = 2
NS = 16
NW = NC * NS

EDGES = R * E
EPW = EDGES // NW
K = 80
CHUNKS = EPW // K
CB = 20
NBLK = CHUNKS // CB
RP0 = 624
RPL = N - (NS - 1) * RP0

_f32 = jnp.float32

_sc_mesh = plsc.VectorSubcoreMesh(core_axis_name="c", subcore_axis_name="s")


@functools.partial(
    pl.kernel,
    out_type=[
        jax.ShapeDtypeStruct((N, D), _f32),
        jax.ShapeDtypeStruct((N, D), _f32),
    ],
    mesh=_sc_mesh,
    scratch_types=[
        pltpu.VMEM((2 * CB * K,), jnp.int32),
        pltpu.VMEM((2 * CB, K), jnp.int32),
        [pltpu.VMEM((K, D), _f32)] * 4,
        pltpu.VMEM_SHARED((N, D), _f32),
        [pltpu.SemaphoreType.DMA] * 4,
        [pltpu.SemaphoreType.DMA] * 4,
        pltpu.SemaphoreType.DMA,
    ],
)
def _sc_edge_agg(table_hbm, cols_hbm, rows_hbm, zeros_hbm,
                 out0_hbm, out1_hbm, cols_v, rows_v, gb, acc, gsem, ssem,
                 isem):
    c = lax.axis_index("c")
    s = lax.axis_index("s")
    wid = c * NS + s
    rel = wid // (NW // R)
    wsub = wid % (NW // R)
    e_off = wsub * EPW
    CBK = CB * K

    @pl.when(s < NS - 1)
    def _():
        pltpu.sync_copy(zeros_hbm.at[pl.ds(s * RP0, RP0)],
                        acc.at[pl.ds(s * RP0, RP0)])

    @pl.when(s == NS - 1)
    def _():
        pltpu.sync_copy(zeros_hbm.at[pl.ds((NS - 1) * RP0, RPL)],
                        acc.at[pl.ds((NS - 1) * RP0, RPL)])

    g_off = rel * E + e_off
    pltpu.sync_copy(cols_hbm.at[pl.ds(g_off, CBK)],
                    cols_v.at[pl.ds(0, CBK)])
    pltpu.sync_copy(rows_hbm.at[rel, wsub, 0], rows_v.at[pl.ds(0, CB)])
    plsc.subcore_barrier()

    def _drain_scatter(b):
        pltpu.make_async_copy(table_hbm.at[pl.ds(0, K)], gb[b], ssem[b]).wait()

    @pl.loop(0, NBLK)
    def _(ob):
        par = lax.rem(ob, 2)
        base = par * CBK
        nbase = (1 - par) * CBK

        @pl.when(ob + 1 < NBLK)
        def _():
            pltpu.async_copy(cols_hbm.at[pl.ds(g_off + (ob + 1) * CBK, CBK)],
                             cols_v.at[pl.ds(nbase, CBK)], isem)
            pltpu.async_copy(rows_hbm.at[rel, wsub, ob + 1],
                             rows_v.at[pl.ds((1 - par) * CB, CB)], isem)

        for i in range(2):
            @pl.when(ob > 0)
            def _():
                _drain_scatter(i)
            pltpu.async_copy(
                table_hbm.at[cols_v.at[pl.ds(base + i * K, K)]],
                gb[i], gsem[i])

        @pl.loop(0, CB // 4)
        def _(q):
            for i in range(4):
                j = 4 * q + i
                b = i
                pltpu.make_async_copy(table_hbm.at[pl.ds(0, K)],
                                      gb[b], gsem[b]).wait()
                pltpu.async_copy(
                    gb[b], acc.at[rows_v.at[par * CB + j]],
                    ssem[b], add=True)
                nb = (i + 2) % 4

                @pl.when(j + 2 < CB)
                def _():
                    @pl.when(ob * CB + j >= 2)
                    def _():
                        _drain_scatter(nb)
                    pltpu.async_copy(
                        table_hbm.at[cols_v.at[pl.ds(base + (j + 2) * K, K)]],
                        gb[nb], gsem[nb])

        @pl.when(ob + 1 < NBLK)
        def _():
            pltpu.make_async_copy(cols_hbm.at[pl.ds(g_off, CBK)],
                                  cols_v.at[pl.ds(nbase, CBK)], isem).wait()
            pltpu.make_async_copy(rows_hbm.at[rel, wsub, 0],
                                  rows_v.at[pl.ds((1 - par) * CB, CB)],
                                  isem).wait()

    for i in range(4):
        _drain_scatter(i)

    plsc.subcore_barrier()

    def _writeout(out_hbm):
        @pl.when(s < NS - 1)
        def _():
            pltpu.sync_copy(acc.at[pl.ds(s * RP0, RP0)],
                            out_hbm.at[pl.ds(s * RP0, RP0)])

        @pl.when(s == NS - 1)
        def _():
            pltpu.sync_copy(acc.at[pl.ds((NS - 1) * RP0, RPL)],
                            out_hbm.at[pl.ds((NS - 1) * RP0, RPL)])

    @pl.when(c == 0)
    def _():
        _writeout(out0_hbm)

    @pl.when(c == 1)
    def _():
        _writeout(out1_hbm)


_BM = 400


def _mm_body(x_ref, w_ref, o_ref):
    o_ref[...] = lax.dot_general(x_ref[...], w_ref[0],
                                 dimension_numbers=(((1,), (1,)), ((), ())),
                                 preferred_element_type=_f32)


def _combine_body(y_ref, p0_ref, p1_ref, b_ref, o_ref):
    o_ref[...] = y_ref[...] + p0_ref[...] + p1_ref[...] + b_ref[...]


def kernel(x, adjs, W_rels, W_self, b_self):
    W_stack = jnp.concatenate([W_self[None], W_rels], axis=0)

    table = pl.pallas_call(
        _mm_body,
        grid=(R + 1,),
        in_specs=[
            pl.BlockSpec((N, D), lambda r: (0, 0)),
            pl.BlockSpec((1, D, D), lambda r: (r, 0, 0)),
        ],
        out_specs=pl.BlockSpec((N, D), lambda r: (r, 0)),
        out_shape=jax.ShapeDtypeStruct(((R + 1) * N, D), _f32),
    )(x, W_stack)

    cols_flat = (adjs[:, 1, :]
                 + (N * (jnp.arange(R, dtype=jnp.int32) + 1))[:, None]
                 ).reshape(R * E)
    rows_w = adjs[:, 0, :].reshape(R, NW // R, NBLK, CB, K)
    zeros = jnp.zeros((N, D), _f32)

    p0, p1 = _sc_edge_agg(table, cols_flat, rows_w, zeros)

    out = pl.pallas_call(
        _combine_body,
        grid=(N // _BM,),
        in_specs=[
            pl.BlockSpec((_BM, D), lambda i: (i, 0)),
            pl.BlockSpec((_BM, D), lambda i: (i, 0)),
            pl.BlockSpec((_BM, D), lambda i: (i, 0)),
            pl.BlockSpec((1, D), lambda i: (0, 0)),
        ],
        out_specs=pl.BlockSpec((_BM, D), lambda i: (i, 0)),
        out_shape=jax.ShapeDtypeStruct((N, D), _f32),
    )(table, p0, p1, b_self.reshape(1, D))
    return out

# --- scband reference (transcript-rebuilt; emitter-appended) ---
"""Pipeline reference for scband-relation-aggregator-63582695850894 (READ-ONLY COPY).

The authoritative reference and input builder live on the scoring server;
editing this copy changes nothing except your own understanding.
"""

import jax, jax.numpy as jnp
import numpy as np

N = 10000
D_IN = 128
D_OUT = 128
R = 4
E = 320000


def setup_inputs(seed: int = 0) -> dict:
    key = jax.random.key(seed)
    k1, k2, k3, k4, k5 = jax.random.split(key, 5)
    x = jax.random.normal(k1, (N, D_IN), dtype=jnp.float32)
    # adjs[r] is the COO index set (row, col) of relation r's adjacency matrix with
    # implicit unit values (binary adjacency), matching torch.sparse.mm(adj, x).
    adjs = jax.random.randint(k2, (R, 2, E), 0, N, dtype=jnp.int32)
    # Per-relation linear weights (no bias), xavier-uniform-like init.
    limit_rel = float(np.sqrt(6.0 / (D_IN + D_OUT)))
    W_rels = jax.random.uniform(k3, (R, D_OUT, D_IN), minval=-limit_rel, maxval=limit_rel, dtype=jnp.float32)
    # Self-loop linear (xavier uniform weight, bias)
    W_self = jax.random.uniform(k4, (D_OUT, D_IN), minval=-limit_rel, maxval=limit_rel, dtype=jnp.float32)
    b_self = jax.random.uniform(k5, (D_OUT,), minval=-0.01, maxval=0.01, dtype=jnp.float32)
    return {"x": x, "adjs": adjs, "W_rels": W_rels, "W_self": W_self, "b_self": b_self}


def reference(x, adjs, W_rels, W_self, b_self):
    # out = self_loop(x)
    out = x @ W_self.T + b_self
    # for each relation: out += Linear_r( sparse.mm(adj_r, x) )
    # sparse.mm(adj, x)[i] = sum over edges (i, j): x[j]  -> scatter-add of gathered rows
    for r in range(R):
        row = adjs[r, 0]
        col = adjs[r, 1]
        agg = jnp.zeros((N, D_IN), dtype=x.dtype).at[row].add(x[col])
        out = out + agg @ W_rels[r].T
    return out

if __name__ == "__main__":
    import jax
    _d = setup_inputs()
    print(jax.jit(kernel)(*tuple(_d.values())))

</pallas_src>

<mosaic_0001>
#map = affine_map<(d0, d1) -> (0, 0)>
#map1 = affine_map<(d0, d1) -> (0)>
#map2 = affine_map<(d0, d1) -> (0, 0, 0, 0, 0)>
module attributes {stable_mosaic.version = 14 : i64} {
  func.func @_sc_edge_agg(%arg0: i32, %arg1: i32, %arg2: memref<50000x128xf32, #tpu.memory_space<hbm>>, %arg3: memref<1280000xi32, #tpu.memory_space<hbm>>, %arg4: memref<4x8x25x20x80xi32, #tpu.memory_space<hbm>>, %arg5: memref<10000x128xf32, #tpu.memory_space<hbm>>, %arg6: memref<10000x128xf32, #tpu.memory_space<hbm>>, %arg7: memref<10000x128xf32, #tpu.memory_space<hbm>>, %arg8: memref<3200xi32, #tpu.memory_space<vmem>>, %arg9: memref<40x80xi32, #tpu.memory_space<vmem>>, %arg10: memref<80x128xf32, #tpu.memory_space<vmem>>, %arg11: memref<80x128xf32, #tpu.memory_space<vmem>>, %arg12: memref<80x128xf32, #tpu.memory_space<vmem>>, %arg13: memref<80x128xf32, #tpu.memory_space<vmem>>, %arg14: memref<10000x128xf32, #tpu.memory_space<vmem_shared>>, %arg15: memref<!tpu.dma_semaphore, #tpu.memory_space<semaphore_mem>>, %arg16: memref<!tpu.dma_semaphore, #tpu.memory_space<semaphore_mem>>, %arg17: memref<!tpu.dma_semaphore, #tpu.memory_space<semaphore_mem>>, %arg18: memref<!tpu.dma_semaphore, #tpu.memory_space<semaphore_mem>>, %arg19: memref<!tpu.dma_semaphore, #tpu.memory_space<semaphore_mem>>, %arg20: memref<!tpu.dma_semaphore, #tpu.memory_space<semaphore_mem>>, %arg21: memref<!tpu.dma_semaphore, #tpu.memory_space<semaphore_mem>>, %arg22: memref<!tpu.dma_semaphore, #tpu.memory_space<semaphore_mem>>, %arg23: memref<!tpu.dma_semaphore, #tpu.memory_space<semaphore_mem>>) attributes {dimension_semantics = [#tpu.dimension_semantics<core_parallel>, #tpu.dimension_semantics<subcore_parallel>], iteration_bounds = array<i64: 2, 16>, scalar_prefetch = 0 : i64, scratch_operands = 16 : i64, tpu.core_type = #tpu.core_type<sc_vector_subcore>, window_params = [{transform_indices = #map}, {transform_indices = #map1}, {transform_indices = #map2}, {transform_indices = #map}, {transform_indices = #map}, {transform_indices = #map}]} {
    %mul3A = arith.constant 16 : i32
    %mul3A_0 = arith.muli %arg0, %mul3A : i32
    %add3A = arith.addi %mul3A_0, %arg1 : i32
    %jit3A = arith.constant 8 : i32
    %div3A = arith.divsi %add3A, %jit3A : i32
    %sign3A = arith.constant 0 : i32
    %sign3A_1 = arith.cmpi sgt, %add3A, %sign3A : i32
    %sign3A_2 = arith.extui %sign3A_1 : i1 to i32
    %sign3A_3 = arith.constant 0 : i32
    %sign3A_4 = arith.cmpi slt, %add3A, %sign3A_3 : i32
    %sign3A_5 = arith.extui %sign3A_4 : i1 to i32
    %sign3A_6 = arith.subi %sign3A_2, %sign3A_5 : i32
    %sign3A_7 = arith.constant 0 : i32
    %sign3A_8 = arith.cmpi sgt, %jit3A, %sign3A_7 : i32
    %sign3A_9 = arith.extui %sign3A_8 : i1 to i32
    %sign3A_10 = arith.constant 0 : i32
    %sign3A_11 = arith.cmpi slt, %jit3A, %sign3A_10 : i32
    %sign3A_12 = arith.extui %sign3A_11 : i1 to i32
    %sign3A_13 = arith.subi %sign3A_9, %sign3A_12 : i32
    %ne3A = arith.cmpi ne, %sign3A_6, %sign3A_13 : i32
    %rem3A = arith.remsi %add3A, %jit3A : i32
    %ne3A_14 = arith.constant 0 : i32
    %ne3A_15 = arith.cmpi ne, %rem3A, %ne3A_14 : i32
    %and3A = arith.andi %ne3A, %ne3A_15 : i1
    %sub3A = arith.constant 1 : i32
    %sub3A_16 = arith.subi %div3A, %sub3A : i32
    %select_n3A = arith.select %and3A, %sub3A_16, %div3A : i32
    %jit3A_17 = arith.constant 8 : i32
    %eq3A = arith.constant 0 : i32
    %eq3A_18 = arith.cmpi eq, %jit3A_17, %eq3A : i32
    %jit3A_19 = arith.constant 1 : i32
    %select_n3A_20 = arith.select %eq3A_18, %jit3A_19, %jit3A_17 : i32
    %rem3A_21 = arith.remsi %add3A, %select_n3A_20 : i32
    %ne3A_22 = arith.constant 0 : i32
    %ne3A_23 = arith.cmpi ne, %rem3A_21, %ne3A_22 : i32
    %lt3A = arith.constant 0 : i32
    %lt3A_24 = arith.cmpi slt, %rem3A_21, %lt3A : i32
    %lt3A_25 = arith.constant 0 : i32
    %lt3A_26 = arith.cmpi slt, %select_n3A_20, %lt3A_25 : i32
    %ne3A_27 = arith.xori %lt3A_24, %lt3A_26 : i1
    %and3A_28 = arith.andi %ne3A_27, %ne3A_23 : i1
    %add3A_29 = arith.addi %rem3A_21, %select_n3A_20 : i32
    %select_n3A_30 = arith.select %and3A_28, %add3A_29, %rem3A_21 : i32
    %mul3A_31 = arith.constant 40000 : i32
    %mul3A_32 = arith.muli %select_n3A_30, %mul3A_31 : i32
    %lt3A_33 = arith.constant 15 : i32
    %lt3A_34 = arith.cmpi slt, %arg1, %lt3A_33 : i32
    %convert_element_type3A = arith.extui %lt3A_34 : i1 to i32
    %cond3A = arith.constant 0 : i32
    %cond3A_35 = arith.cmpi ne, %convert_element_type3A, %cond3A : i32
    scf.if %cond3A_35 {
      %mul3A_82 = arith.constant 624 : i32
      %mul3A_83 = arith.muli %arg1, %mul3A_82 : i32
      %mul3A_84 = arith.constant 624 : i32
      %mul3A_85 = arith.muli %arg1, %mul3A_84 : i32
      "tpu.region"() ({
        %run_scoped3A_86 = tpu.sem_alloc : memref<!tpu.dma_semaphore, #tpu.memory_space<semaphore_mem>>
        %dma_start3A = arith.constant 0 : i32
        %dma_start3A_87 = tpu.memref_slice %arg14[%mul3A_85, %dma_start3A] : memref<10000x128xf32, #tpu.memory_space<vmem_shared>> -> memref<624x128xf32, #tpu.memory_space<vmem_shared>>
        %dma_start3A_88 = arith.constant 0 : i32
        %dma_start3A_89 = tpu.memref_slice %arg5[%mul3A_83, %dma_start3A_88] : memref<10000x128xf32, #tpu.memory_space<hbm>> -> memref<624x128xf32, #tpu.memory_space<hbm>>
        tpu.enqueue_dma source(%dma_start3A_89 : memref<624x128xf32, #tpu.memory_space<hbm>>) target(%dma_start3A_87 : memref<624x128xf32, #tpu.memory_space<vmem_shared>>) target_semaphore(%run_scoped3A_86 : memref<!tpu.dma_semaphore, #tpu.memory_space<semaphore_mem>>)
        %dma_wait3A_90 = arith.constant 0 : i32
        %dma_wait3A_91 = tpu.memref_slice %arg14[%mul3A_85, %dma_wait3A_90] : memref<10000x128xf32, #tpu.memory_space<vmem_shared>> -> memref<624x128xf32, #tpu.memory_space<vmem_shared>>
        %dma_wait3A_92 = arith.constant 0 : i32
        %dma_wait3A_93 = tpu.memref_slice %arg5[%mul3A_83, %dma_wait3A_92] : memref<10000x128xf32, #tpu.memory_space<hbm>> -> memref<624x128xf32, #tpu.memory_space<hbm>>
        tpu.wait_dma2 semaphore(%run_scoped3A_86 : memref<!tpu.dma_semaphore, #tpu.memory_space<semaphore_mem>>) src(%dma_wait3A_93 : memref<624x128xf32, #tpu.memory_space<hbm>>) dst(%dma_wait3A_91 : memref<624x128xf32, #tpu.memory_space<vmem_shared>>)
        tpu.yield
      }) : () -> ()
    } else {
    }
    %eq3A_36 = arith.constant 15 : i32
    %eq3A_37 = arith.cmpi eq, %arg1, %eq3A_36 : i32
    %convert_element_type3A_38 = arith.extui %eq3A_37 : i1 to i32
    %cond3A_39 = arith.constant 0 : i32
    %cond3A_40 = arith.cmpi ne, %convert_element_type3A_38, %cond3A_39 : i32
    scf.if %cond3A_40 {
      "tpu.region"() ({
        %run_scoped3A_82 = tpu.sem_alloc : memref<!tpu.dma_semaphore, #tpu.memory_space<semaphore_mem>>
        %dma_start3A = arith.constant 9360 : i32
        %dma_start3A_83 = arith.constant 0 : i32
        %dma_start3A_84 = tpu.memref_slice %arg14[%dma_start3A, %dma_start3A_83] : memref<10000x128xf32, #tpu.memory_space<vmem_shared>> -> memref<640x128xf32, #tpu.memory_space<vmem_shared>>
        %dma_start3A_85 = arith.constant 9360 : i32
        %dma_start3A_86 = arith.constant 0 : i32
        %dma_start3A_87 = tpu.memref_slice %arg5[%dma_start3A_85, %dma_start3A_86] : memref<10000x128xf32, #tpu.memory_space<hbm>> -> memref<640x128xf32, #tpu.memory_space<hbm>>
        tpu.enqueue_dma source(%dma_start3A_87 : memref<640x128xf32, #tpu.memory_space<hbm>>) target(%dma_start3A_84 : memref<640x128xf32, #tpu.memory_space<vmem_shared>>) target_semaphore(%run_scoped3A_82 : memref<!tpu.dma_semaphore, #tpu.memory_space<semaphore_mem>>)
        %dma_wait3A_88 = arith.constant 9360 : i32
        %dma_wait3A_89 = arith.constant 0 : i32
        %dma_wait3A_90 = tpu.memref_slice %arg14[%dma_wait3A_88, %dma_wait3A_89] : memref<10000x128xf32, #tpu.memory_space<vmem_shared>> -> memref<640x128xf32, #tpu.memory_space<vmem_shared>>
        %dma_wait3A_91 = arith.constant 9360 : i32
        %dma_wait3A_92 = arith.constant 0 : i32
        %dma_wait3A_93 = tpu.memref_slice %arg5[%dma_wait3A_91, %dma_wait3A_92] : memref<10000x128xf32, #tpu.memory_space<hbm>> -> memref<640x128xf32, #tpu.memory_space<hbm>>
        tpu.wait_dma2 semaphore(%run_scoped3A_82 : memref<!tpu.dma_semaphore, #tpu.memory_space<semaphore_mem>>) src(%dma_wait3A_93 : memref<640x128xf32, #tpu.memory_space<hbm>>) dst(%dma_wait3A_90 : memref<640x128xf32, #tpu.memory_space<vmem_shared>>)
        tpu.yield
      }) : () -> ()
    } else {
    }
    %mul3A_41 = arith.constant 320000 : i32
    %mul3A_42 = arith.muli %select_n3A, %mul3A_41 : i32
    %add3A_43 = arith.addi %mul3A_42, %mul3A_32 : i32
    "tpu.region"() ({
      %run_scoped3A_82 = tpu.sem_alloc : memref<!tpu.dma_semaphore, #tpu.memory_space<semaphore_mem>>
      %dma_start3A = arith.constant 0 : i32
      %dma_start3A_83 = tpu.memref_slice %arg8[%dma_start3A] : memref<3200xi32, #tpu.memory_space<vmem>> -> memref<1600xi32, #tpu.memory_space<vmem>>
      %dma_start3A_84 = tpu.memref_slice %arg3[%add3A_43] : memref<1280000xi32, #tpu.memory_space<hbm>> -> memref<1600xi32, #tpu.memory_space<hbm>>
      %dma_start3A_85 = arith.constant 0 : i32
      %dma_start3A_86 = tpu.memref_slice %arg8[%dma_start3A_85] : memref<3200xi32, #tpu.memory_space<vmem>> -> memref<1600xi32, #tpu.memory_space<vmem>>
      %dma_start3A_87 = tpu.memref_slice %arg3[%add3A_43] : memref<1280000xi32, #tpu.memory_space<hbm>> -> memref<1600xi32, #tpu.memory_space<hbm>>
      tpu.enqueue_dma source(%dma_start3A_87 : memref<1600xi32, #tpu.memory_space<hbm>>) target(%dma_start3A_86 : memref<1600xi32, #tpu.memory_space<vmem>>) target_semaphore(%run_scoped3A_82 : memref<!tpu.dma_semaphore, #tpu.memory_space<semaphore_mem>>)
      %dma_wait3A_88 = arith.constant 0 : i32
      %dma_wait3A_89 = tpu.memref_slice %arg8[%dma_wait3A_88] : memref<3200xi32, #tpu.memory_space<vmem>> -> memref<1600xi32, #tpu.memory_space<vmem>>
      %dma_wait3A_90 = tpu.memref_slice %arg3[%add3A_43] : memref<1280000xi32, #tpu.memory_space<hbm>> -> memref<1600xi32, #tpu.memory_space<hbm>>
      %dma_wait3A_91 = arith.constant 0 : i32
      %dma_wait3A_92 = tpu.memref_slice %arg8[%dma_wait3A_91] : memref<3200xi32, #tpu.memory_space<vmem>> -> memref<1600xi32, #tpu.memory_space<vmem>>
      %dma_wait3A_93 = tpu.memref_slice %arg3[%add3A_43] : memref<1280000xi32, #tpu.memory_space<hbm>> -> memref<1600xi32, #tpu.memory_space<hbm>>
      tpu.wait_dma2 semaphore(%run_scoped3A_82 : memref<!tpu.dma_semaphore, #tpu.memory_space<semaphore_mem>>) src(%dma_wait3A_93 : memref<1600xi32, #tpu.memory_space<hbm>>) dst(%dma_wait3A_92 : memref<1600xi32, #tpu.memory_space<vmem>>)
      tpu.yield
    }) : () -> ()
    %run_scoped3A = arith.constant 0 : i32
    "tpu.region"() ({
      %run_scoped3A_82 = tpu.sem_alloc : memref<!tpu.dma_semaphore, #tpu.memory_space<semaphore_mem>>
      %dma_start3A = arith.constant 0 : i32
      %dma_start3A_83 = arith.constant 0 : i32
      %dma_start3A_84 = tpu.memref_slice %arg9[%dma_start3A, %dma_start3A_83] : memref<40x80xi32, #tpu.memory_space<vmem>> -> memref<20x80xi32, #tpu.memory_space<vmem>>
      %dma_start3A_85 = arith.constant 0 : i32
      %dma_start3A_86 = arith.constant 0 : i32
      %dma_start3A_87 = tpu.memref_slice %arg4[%select_n3A, %select_n3A_30, %run_scoped3A, %dma_start3A_85, %dma_start3A_86] : memref<4x8x25x20x80xi32, #tpu.memory_space<hbm>> -> memref<1x1x1x20x80xi32, #tpu.memory_space<hbm>>
      %dma_start3A_88 = tpu.memref_squeeze %dma_start3A_87 : memref<1x1x1x20x80xi32, #tpu.memory_space<hbm>> -> memref<20x80xi32, #tpu.memory_space<hbm>>
      %dma_start3A_89 = arith.constant 0 : i32
      %dma_start3A_90 = arith.constant 0 : i32
      %dma_start3A_91 = tpu.memref_slice %arg9[%dma_start3A_89, %dma_start3A_90] : memref<40x80xi32, #tpu.memory_space<vmem>> -> memref<20x80xi32, #tpu.memory_space<vmem>>
      %dma_start3A_92 = arith.constant 0 : i32
      %dma_start3A_93 = arith.constant 0 : i32
      %dma_start3A_94 = tpu.memref_slice %arg4[%select_n3A, %select_n3A_30, %run_scoped3A, %dma_start3A_92, %dma_start3A_93] : memref<4x8x25x20x80xi32, #tpu.memory_space<hbm>> -> memref<1x1x1x20x80xi32, #tpu.memory_space<hbm>>
      %dma_start3A_95 = tpu.memref_squeeze %dma_start3A_94 : memref<1x1x1x20x80xi32, #tpu.memory_space<hbm>> -> memref<20x80xi32, #tpu.memory_space<hbm>>
      tpu.enqueue_dma source(%dma_start3A_95 : memref<20x80xi32, #tpu.memory_space<hbm>>) target(%dma_start3A_91 : memref<20x80xi32, #tpu.memory_space<vmem>>) target_semaphore(%run_scoped3A_82 : memref<!tpu.dma_semaphore, #tpu.memory_space<semaphore_mem>>)
      %dma_wait3A_96 = arith.constant 0 : i32
      %dma_wait3A_97 = arith.constant 0 : i32
      %dma_wait3A_98 = tpu.memref_slice %arg9[%dma_wait3A_96, %dma_wait3A_97] : memref<40x80xi32, #tpu.memory_space<vmem>> -> memref<20x80xi32, #tpu.memory_space<vmem>>
      %dma_wait3A_99 = arith.constant 0 : i32
      %dma_wait3A_100 = arith.constant 0 : i32
      %dma_wait3A_101 = tpu.memref_slice %arg4[%select_n3A, %select_n3A_30, %run_scoped3A, %dma_wait3A_99, %dma_wait3A_100] : memref<4x8x25x20x80xi32, #tpu.memory_space<hbm>> -> memref<1x1x1x20x80xi32, #tpu.memory_space<hbm>>
      %dma_wait3A_102 = tpu.memref_squeeze %dma_wait3A_101 : memref<1x1x1x20x80xi32, #tpu.memory_space<hbm>> -> memref<20x80xi32, #tpu.memory_space<hbm>>
      %dma_wait3A_103 = arith.constant 0 : i32
      %dma_wait3A_104 = arith.constant 0 : i32
      %dma_wait3A_105 = tpu.memref_slice %arg9[%dma_wait3A_103, %dma_wait3A_104] : memref<40x80xi32, #tpu.memory_space<vmem>> -> memref<20x80xi32, #tpu.memory_space<vmem>>
      %dma_wait3A_106 = arith.constant 0 : i32
      %dma_wait3A_107 = arith.constant 0 : i32
      %dma_wait3A_108 = tpu.memref_slice %arg4[%select_n3A, %select_n3A_30, %run_scoped3A, %dma_wait3A_106, %dma_wait3A_107] : memref<4x8x25x20x80xi32, #tpu.memory_space<hbm>> -> memref<1x1x1x20x80xi32, #tpu.memory_space<hbm>>
      %dma_wait3A_109 = tpu.memref_squeeze %dma_wait3A_108 : memref<1x1x1x20x80xi32, #tpu.memory_space<hbm>> -> memref<20x80xi32, #tpu.memory_space<hbm>>
      tpu.wait_dma2 semaphore(%run_scoped3A_82 : memref<!tpu.dma_semaphore, #tpu.memory_space<semaphore_mem>>) src(%dma_wait3A_109 : memref<20x80xi32, #tpu.memory_space<hbm>>) dst(%dma_wait3A_105 : memref<20x80xi32, #tpu.memory_space<vmem>>)
      tpu.yield
    }) : () -> ()
    %barrier3A = arith.constant 0 : index
    tpu.barrier barrier_id(%barrier3A)
    %scan3A = arith.constant 0 : i32
    %scan3A_44 = arith.constant 25 : i32
    %scan3A_45 = arith.addi %scan3A, %scan3A_44 : i32
    %scan3A_46 = arith.constant 1 : i32
    scf.for %scan3A_82 = %scan3A to %scan3A_45 step %scan3A_46  : i32 {
      %mul3A_83 = arith.constant 1 : i32
      %mul3A_84 = arith.muli %scan3A_82, %mul3A_83 : i32
      %add3A_85 = arith.constant 0 : i32
      %add3A_86 = arith.addi %add3A_85, %mul3A_84 : i32
      %rem3A_87 = arith.constant 2 : i32
      %rem3A_88 = arith.remsi %add3A_86, %rem3A_87 : i32
      %mul3A_89 = arith.constant 1600 : i32
      %mul3A_90 = arith.muli %rem3A_88, %mul3A_89 : i32
      %sub3A_91 = arith.constant 1 : i32
      %sub3A_92 = arith.subi %sub3A_91, %rem3A_88 : i32
      %mul3A_93 = arith.constant 1600 : i32
      %mul3A_94 = arith.muli %sub3A_92, %mul3A_93 : i32
      %add3A_95 = arith.constant 1 : i32
      %add3A_96 = arith.addi %add3A_86, %add3A_95 : i32
      %lt3A_97 = arith.constant 25 : i32
      %lt3A_98 = arith.cmpi slt, %add3A_96, %lt3A_97 : i32
      %convert_element_type3A_99 = arith.extui %lt3A_98 : i1 to i32
      %cond3A_100 = arith.constant 0 : i32
      %cond3A_101 = arith.cmpi ne, %convert_element_type3A_99, %cond3A_100 : i32
      scf.if %cond3A_101 {
        %add3A_134 = arith.constant 1 : i32
        %add3A_135 = arith.addi %add3A_86, %add3A_134 : i32
        %mul3A_136 = arith.constant 1600 : i32
        %mul3A_137 = arith.muli %add3A_135, %mul3A_136 : i32
        %add3A_138 = arith.addi %add3A_43, %mul3A_137 : i32
        %dma_start3A_139 = tpu.memref_slice %arg8[%mul3A_94] : memref<3200xi32, #tpu.memory_space<vmem>> -> memref<1600xi32, #tpu.memory_space<vmem>>
        %dma_start3A_140 = tpu.memref_slice %arg3[%add3A_138] : memref<1280000xi32, #tpu.memory_space<hbm>> -> memref<1600xi32, #tpu.memory_space<hbm>>
        %dma_start3A_141 = tpu.memref_slice %arg8[%mul3A_94] : memref<3200xi32, #tpu.memory_space<vmem>> -> memref<1600xi32, #tpu.memory_space<vmem>>
        %dma_start3A_142 = tpu.memref_slice %arg3[%add3A_138] : memref<1280000xi32, #tpu.memory_space<hbm>> -> memref<1600xi32, #tpu.memory_space<hbm>>
        tpu.enqueue_dma source(%dma_start3A_142 : memref<1600xi32, #tpu.memory_space<hbm>>) target(%dma_start3A_141 : memref<1600xi32, #tpu.memory_space<vmem>>) target_semaphore(%arg23 : memref<!tpu.dma_semaphore, #tpu.memory_space<semaphore_mem>>)
        %add3A_143 = arith.constant 1 : i32
        %add3A_144 = arith.addi %add3A_86, %add3A_143 : i32
        %sub3A_145 = arith.constant 1 : i32
        %sub3A_146 = arith.subi %sub3A_145, %rem3A_88 : i32
        %mul3A_147 = arith.constant 20 : i32
        %mul3A_148 = arith.muli %sub3A_146, %mul3A_147 : i32
        %dma_start3A_149 = arith.constant 0 : i32
        %dma_start3A_150 = tpu.memref_slice %arg9[%mul3A_148, %dma_start3A_149] : memref<40x80xi32, #tpu.memory_space<vmem>> -> memref<20x80xi32, #tpu.memory_space<vmem>>
        %dma_start3A_151 = arith.constant 0 : i32
        %dma_start3A_152 = arith.constant 0 : i32
        %dma_start3A_153 = tpu.memref_slice %arg4[%select_n3A, %select_n3A_30, %add3A_144, %dma_start3A_151, %dma_start3A_152] : memref<4x8x25x20x80xi32, #tpu.memory_space<hbm>> -> memref<1x1x1x20x80xi32, #tpu.memory_space<hbm>>
        %dma_start3A_154 = tpu.memref_squeeze %dma_start3A_153 : memref<1x1x1x20x80xi32, #tpu.memory_space<hbm>> -> memref<20x80xi32, #tpu.memory_space<hbm>>
        %dma_start3A_155 = arith.constant 0 : i32
        %dma_start3A_156 = tpu.memref_slice %arg9[%mul3A_148, %dma_start3A_155] : memref<40x80xi32, #tpu.memory_space<vmem>> -> memref<20x80xi32, #tpu.memory_space<vmem>>
        %dma_start3A_157 = arith.constant 0 : i32
        %dma_start3A_158 = arith.constant 0 : i32
        %dma_start3A_159 = tpu.memref_slice %arg4[%select_n3A, %select_n3A_30, %add3A_144, %dma_start3A_157, %dma_start3A_158] : memref<4x8x25x20x80xi32, #tpu.memory_space<hbm>> -> memref<1x1x1x20x80xi32, #tpu.memory_space<hbm>>
        %dma_start3A_160 = tpu.memref_squeeze %dma_start3A_159 : memref<1x1x1x20x80xi32, #tpu.memory_space<hbm>> -> memref<20x80xi32, #tpu.memory_space<hbm>>
        tpu.enqueue_dma source(%dma_start3A_160 : memref<20x80xi32, #tpu.memory_space<hbm>>) target(%dma_start3A_156 : memref<20x80xi32, #tpu.memory_space<vmem>>) target_semaphore(%arg23 : memref<!tpu.dma_semaphore, #tpu.memory_space<semaphore_mem>>)
      } else {
      }
      %gt3A = arith.constant 0 : i32
      %gt3A_102 = arith.cmpi sgt, %add3A_86, %gt3A : i32
      %convert_element_type3A_103 = arith.extui %gt3A_102 : i1 to i32
      %cond3A_104 = arith.constant 0 : i32
      %cond3A_105 = arith.cmpi ne, %convert_element_type3A_103, %cond3A_104 : i32
      scf.if %cond3A_105 {
        %dma_wait3A_134 = arith.constant 0 : i32
        %dma_wait3A_135 = arith.constant 0 : i32
        %dma_wait3A_136 = tpu.memref_slice %arg2[%dma_wait3A_134, %dma_wait3A_135] : memref<50000x128xf32, #tpu.memory_space<hbm>> -> memref<80x128xf32, #tpu.memory_space<hbm>>
        %dma_wait3A_137 = arith.constant 0 : i32
        %dma_wait3A_138 = arith.constant 0 : i32
        %dma_wait3A_139 = tpu.memref_slice %arg2[%dma_wait3A_137, %dma_wait3A_138] : memref<50000x128xf32, #tpu.memory_space<hbm>> -> memref<80x128xf32, #tpu.memory_space<hbm>>
        tpu.wait_dma2 semaphore(%arg19 : memref<!tpu.dma_semaphore, #tpu.memory_space<semaphore_mem>>) src(%dma_wait3A_139 : memref<80x128xf32, #tpu.memory_space<hbm>>) dst(%arg10 : memref<80x128xf32, #tpu.memory_space<vmem>>)
      } else {
      }
      %add3A_106 = arith.constant 0 : i32
      %add3A_107 = arith.addi %mul3A_90, %add3A_106 : i32
      %dma_start3A = tpu.memref_slice %arg8[%add3A_107] : memref<3200xi32, #tpu.memory_space<vmem>> -> memref<80xi32, #tpu.memory_space<vmem>>
      %dma_start3A_108 = arith.constant 0 : i32
      %dma_start3A_109 = arith.constant 0 : i32
      %dma_start3A_110 = tpu.memref_slice %arg2[%dma_start3A_108, %dma_start3A_109] : memref<50000x128xf32, #tpu.memory_space<hbm>> -> memref<50000x128xf32, #tpu.memory_space<hbm>>
      tpu.enqueue_indirect_dma source(%dma_start3A_110 : memref<50000x128xf32, #tpu.memory_space<hbm>>) target(%arg10 : memref<80x128xf32, #tpu.memory_space<vmem>>) offsets(%dma_start3A : memref<80xi32, #tpu.memory_space<vmem>>) semaphore(%arg15 : memref<!tpu.dma_semaphore, #tpu.memory_space<semaphore_mem>>)
      %gt3A_111 = arith.constant 0 : i32
      %gt3A_112 = arith.cmpi sgt, %add3A_86, %gt3A_111 : i32
      %convert_element_type3A_113 = arith.extui %gt3A_112 : i1 to i32
      %cond3A_114 = arith.constant 0 : i32
      %cond3A_115 = arith.cmpi ne, %convert_element_type3A_113, %cond3A_114 : i32
      scf.if %cond3A_115 {
        %dma_wait3A_134 = arith.constant 0 : i32
        %dma_wait3A_135 = arith.constant 0 : i32
        %dma_wait3A_136 = tpu.memref_slice %arg2[%dma_wait3A_134, %dma_wait3A_135] : memref<50000x128xf32, #tpu.memory_space<hbm>> -> memref<80x128xf32, #tpu.memory_space<hbm>>
        %dma_wait3A_137 = arith.constant 0 : i32
        %dma_wait3A_138 = arith.constant 0 : i32
        %dma_wait3A_139 = tpu.memref_slice %arg2[%dma_wait3A_137, %dma_wait3A_138] : memref<50000x128xf32, #tpu.memory_space<hbm>> -> memref<80x128xf32, #tpu.memory_space<hbm>>
        tpu.wait_dma2 semaphore(%arg20 : memref<!tpu.dma_semaphore, #tpu.memory_space<semaphore_mem>>) src(%dma_wait3A_139 : memref<80x128xf32, #tpu.memory_space<hbm>>) dst(%arg11 : memref<80x128xf32, #tpu.memory_space<vmem>>)
      } else {
      }
      %add3A_116 = arith.constant 80 : i32
      %add3A_117 = arith.addi %mul3A_90, %add3A_116 : i32
      %dma_start3A_118 = tpu.memref_slice %arg8[%add3A_117] : memref<3200xi32, #tpu.memory_space<vmem>> -> memref<80xi32, #tpu.memory_space<vmem>>
      %dma_start3A_119 = arith.constant 0 : i32
      %dma_start3A_120 = arith.constant 0 : i32
      %dma_start3A_121 = tpu.memref_slice %arg2[%dma_start3A_119, %dma_start3A_120] : memref<50000x128xf32, #tpu.memory_space<hbm>> -> memref<50000x128xf32, #tpu.memory_space<hbm>>
      tpu.enqueue_indirect_dma source(%dma_start3A_121 : memref<50000x128xf32, #tpu.memory_space<hbm>>) target(%arg11 : memref<80x128xf32, #tpu.memory_space<vmem>>) offsets(%dma_start3A_118 : memref<80xi32, #tpu.memory_space<vmem>>) semaphore(%arg16 : memref<!tpu.dma_semaphore, #tpu.memory_space<semaphore_mem>>)
      %scan3A_122 = arith.constant 0 : i32
      %scan3A_123 = arith.constant 5 : i32
      %scan3A_124 = arith.addi %scan3A_122, %scan3A_123 : i32
      %scan3A_125 = arith.constant 1 : i32
      scf.for %scan3A_134 = %scan3A_122 to %scan3A_124 step %scan3A_125  : i32 {
        %mul3A_135 = arith.constant 1 : i32
        %mul3A_136 = arith.muli %scan3A_134, %mul3A_135 : i32
        %add3A_137 = arith.constant 0 : i32
        %add3A_138 = arith.addi %add3A_137, %mul3A_136 : i32
        %mul3A_139 = arith.constant 4 : i32
        %mul3A_140 = arith.muli %mul3A_139, %add3A_138 : i32
        %add3A_141 = arith.constant 0 : i32
        %add3A_142 = arith.addi %mul3A_140, %add3A_141 : i32
        %dma_wait3A_143 = arith.constant 0 : i32
        %dma_wait3A_144 = arith.constant 0 : i32
        %dma_wait3A_145 = tpu.memref_slice %arg2[%dma_wait3A_143, %dma_wait3A_144] : memref<50000x128xf32, #tpu.memory_space<hbm>> -> memref<80x128xf32, #tpu.memory_space<hbm>>
        %dma_wait3A_146 = arith.constant 0 : i32
        %dma_wait3A_147 = arith.constant 0 : i32
        %dma_wait3A_148 = tpu.memref_slice %arg2[%dma_wait3A_146, %dma_wait3A_147] : memref<50000x128xf32, #tpu.memory_space<hbm>> -> memref<80x128xf32, #tpu.memory_space<hbm>>
        tpu.wait_dma2 semaphore(%arg15 : memref<!tpu.dma_semaphore, #tpu.memory_space<semaphore_mem>>) src(%dma_wait3A_148 : memref<80x128xf32, #tpu.memory_space<hbm>>) dst(%arg10 : memref<80x128xf32, #tpu.memory_space<vmem>>)
        %mul3A_149 = arith.constant 20 : i32
        %mul3A_150 = arith.muli %rem3A_88, %mul3A_149 : i32
        %add3A_151 = arith.addi %mul3A_150, %add3A_142 : i32
        %dma_start3A_152 = arith.constant 0 : i32
        %dma_start3A_153 = tpu.memref_slice %arg9[%add3A_151, %dma_start3A_152] : memref<40x80xi32, #tpu.memory_space<vmem>> -> memref<1x80xi32, #tpu.memory_space<vmem>>
        %dma_start3A_154 = tpu.memref_squeeze %dma_start3A_153 : memref<1x80xi32, #tpu.memory_space<vmem>> -> memref<80xi32, #tpu.memory_space<vmem>>
        %dma_start3A_155 = arith.constant 0 : i32
        %dma_start3A_156 = arith.constant 0 : i32
        %dma_start3A_157 = tpu.memref_slice %arg14[%dma_start3A_155, %dma_start3A_156] : memref<10000x128xf32, #tpu.memory_space<vmem_shared>> -> memref<10000x128xf32, #tpu.memory_space<vmem_shared>>
        tpu.enqueue_indirect_dma source(%arg10 : memref<80x128xf32, #tpu.memory_space<vmem>>) target(%dma_start3A_157 : memref<10000x128xf32, #tpu.memory_space<vmem_shared>>) offsets(%dma_start3A_154 : memref<80xi32, #tpu.memory_space<vmem>>) semaphore(%arg19 : memref<!tpu.dma_semaphore, #tpu.memory_space<semaphore_mem>>) {add = true}
        %add3A_158 = arith.constant 2 : i32
        %add3A_159 = arith.addi %add3A_142, %add3A_158 : i32
        %lt3A_160 = arith.constant 20 : i32
        %lt3A_161 = arith.cmpi slt, %add3A_159, %lt3A_160 : i32
        %convert_element_type3A_162 = arith.extui %lt3A_161 : i1 to i32
        %cond3A_163 = arith.constant 0 : i32
        %cond3A_164 = arith.cmpi ne, %convert_element_type3A_162, %cond3A_163 : i32
        scf.if %cond3A_164 {
          %mul3A_243 = arith.constant 20 : i32
          %mul3A_244 = arith.muli %add3A_86, %mul3A_243 : i32
          %add3A_245 = arith.addi %mul3A_244, %add3A_142 : i32
          %ge3A = arith.constant 2 : i32
          %ge3A_246 = arith.cmpi sge, %add3A_245, %ge3A : i32
          %convert_element_type3A_247 = arith.extui %ge3A_246 : i1 to i32
          %cond3A_248 = arith.constant 0 : i32
          %cond3A_249 = arith.cmpi ne, %convert_element_type3A_247, %cond3A_248 : i32
          scf.if %cond3A_249 {
            %dma_wait3A_259 = arith.constant 0 : i32
            %dma_wait3A_260 = arith.constant 0 : i32
            %dma_wait3A_261 = tpu.memref_slice %arg2[%dma_wait3A_259, %dma_wait3A_260] : memref<50000x128xf32, #tpu.memory_space<hbm>> -> memref<80x128xf32, #tpu.memory_space<hbm>>
            %dma_wait3A_262 = arith.constant 0 : i32
            %dma_wait3A_263 = arith.constant 0 : i32
            %dma_wait3A_264 = tpu.memref_slice %arg2[%dma_wait3A_262, %dma_wait3A_263] : memref<50000x128xf32, #tpu.memory_space<hbm>> -> memref<80x128xf32, #tpu.memory_space<hbm>>
            tpu.wait_dma2 semaphore(%arg21 : memref<!tpu.dma_semaphore, #tpu.memory_space<semaphore_mem>>) src(%dma_wait3A_264 : memref<80x128xf32, #tpu.memory_space<hbm>>) dst(%arg12 : memref<80x128xf32, #tpu.memory_space<vmem>>)
          } else {
          }
          %add3A_250 = arith.constant 2 : i32
          %add3A_251 = arith.addi %add3A_142, %add3A_250 : i32
          %mul3A_252 = arith.constant 80 : i32
          %mul3A_253 = arith.muli %add3A_251, %mul3A_252 : i32
          %add3A_254 = arith.addi %mul3A_90, %mul3A_253 : i32
          %dma_start3A_255 = tpu.memref_slice %arg8[%add3A_254] : memref<3200xi32, #tpu.memory_space<vmem>> -> memref<80xi32, #tpu.memory_space<vmem>>
          %dma_start3A_256 = arith.constant 0 : i32
          %dma_start3A_257 = arith.constant 0 : i32
          %dma_start3A_258 = tpu.memref_slice %arg2[%dma_start3A_256, %dma_start3A_257] : memref<50000x128xf32, #tpu.memory_space<hbm>> -> memref<50000x128xf32, #tpu.memory_space<hbm>>
          tpu.enqueue_indirect_dma source(%dma_start3A_258 : memref<50000x128xf32, #tpu.memory_space<hbm>>) target(%arg12 : memref<80x128xf32, #tpu.memory_space<vmem>>) offsets(%dma_start3A_255 : memref<80xi32, #tpu.memory_space<vmem>>) semaphore(%arg17 : memref<!tpu.dma_semaphore, #tpu.memory_space<semaphore_mem>>)
        } else {
        }
        %mul3A_165 = arith.constant 4 : i32
        %mul3A_166 = arith.muli %mul3A_165, %add3A_138 : i32
        %add3A_167 = arith.constant 1 : i32
        %add3A_168 = arith.addi %mul3A_166, %add3A_167 : i32
        %dma_wait3A_169 = arith.constant 0 : i32
        %dma_wait3A_170 = arith.constant 0 : i32
        %dma_wait3A_171 = tpu.memref_slice %arg2[%dma_wait3A_169, %dma_wait3A_170] : memref<50000x128xf32, #tpu.memory_space<hbm>> -> memref<80x128xf32, #tpu.memory_space<hbm>>
        %dma_wait3A_172 = arith.constant 0 : i32
        %dma_wait3A_173 = arith.constant 0 : i32
        %dma_wait3A_174 = tpu.memref_slice %arg2[%dma_wait3A_172, %dma_wait3A_173] : memref<50000x128xf32, #tpu.memory_space<hbm>> -> memref<80x128xf32, #tpu.memory_space<hbm>>
        tpu.wait_dma2 semaphore(%arg16 : memref<!tpu.dma_semaphore, #tpu.memory_space<semaphore_mem>>) src(%dma_wait3A_174 : memref<80x128xf32, #tpu.memory_space<hbm>>) dst(%arg11 : memref<80x128xf32, #tpu.memory_space<vmem>>)
        %mul3A_175 = arith.constant 20 : i32
        %mul3A_176 = arith.muli %rem3A_88, %mul3A_175 : i32
        %add3A_177 = arith.addi %mul3A_176, %add3A_168 : i32
        %dma_start3A_178 = arith.constant 0 : i32
        %dma_start3A_179 = tpu.memref_slice %arg9[%add3A_177, %dma_start3A_178] : memref<40x80xi32, #tpu.memory_space<vmem>> -> memref<1x80xi32, #tpu.memory_space<vmem>>
        %dma_start3A_180 = tpu.memref_squeeze %dma_start3A_179 : memref<1x80xi32, #tpu.memory_space<vmem>> -> memref<80xi32, #tpu.memory_space<vmem>>
        %dma_start3A_181 = arith.constant 0 : i32
        %dma_start3A_182 = arith.constant 0 : i32
        %dma_start3A_183 = tpu.memref_slice %arg14[%dma_start3A_181, %dma_start3A_182] : memref<10000x128xf32, #tpu.memory_space<vmem_shared>> -> memref<10000x128xf32, #tpu.memory_space<vmem_shared>>
        tpu.enqueue_indirect_dma source(%arg11 : memref<80x128xf32, #tpu.memory_space<vmem>>) target(%dma_start3A_183 : memref<10000x128xf32, #tpu.memory_space<vmem_shared>>) offsets(%dma_start3A_180 : memref<80xi32, #tpu.memory_space<vmem>>) semaphore(%arg20 : memref<!tpu.dma_semaphore, #tpu.memory_space<semaphore_mem>>) {add = true}
        %add3A_184 = arith.constant 2 : i32
        %add3A_185 = arith.addi %add3A_168, %add3A_184 : i32
        %lt3A_186 = arith.constant 20 : i32
        %lt3A_187 = arith.cmpi slt, %add3A_185, %lt3A_186 : i32
        %convert_element_type3A_188 = arith.extui %lt3A_187 : i1 to i32
        %cond3A_189 = arith.constant 0 : i32
        %cond3A_190 = arith.cmpi ne, %convert_element_type3A_188, %cond3A_189 : i32
        scf.if %cond3A_190 {
          %mul3A_243 = arith.constant 20 : i32
          %mul3A_244 = arith.muli %add3A_86, %mul3A_243 : i32
          %add3A_245 = arith.addi %mul3A_244, %add3A_168 : i32
          %ge3A = arith.constant 2 : i32
          %ge3A_246 = arith.cmpi sge, %add3A_245, %ge3A : i32
          %convert_element_type3A_247 = arith.extui %ge3A_246 : i1 to i32
          %cond3A_248 = arith.constant 0 : i32
          %cond3A_249 = arith.cmpi ne, %convert_element_type3A_247, %cond3A_248 : i32
          scf.if %cond3A_249 {
            %dma_wait3A_259 = arith.constant 0 : i32
            %dma_wait3A_260 = arith.constant 0 : i32
            %dma_wait3A_261 = tpu.memref_slice %arg2[%dma_wait3A_259, %dma_wait3A_260] : memref<50000x128xf32, #tpu.memory_space<hbm>> -> memref<80x128xf32, #tpu.memory_space<hbm>>
            %dma_wait3A_262 = arith.constant 0 : i32
            %dma_wait3A_263 = arith.constant 0 : i32
            %dma_wait3A_264 = tpu.memref_slice %arg2[%dma_wait3A_262, %dma_wait3A_263] : memref<50000x128xf32, #tpu.memory_space<hbm>> -> memref<80x128xf32, #tpu.memory_space<hbm>>
            tpu.wait_dma2 semaphore(%arg22 : memref<!tpu.dma_semaphore, #tpu.memory_space<semaphore_mem>>) src(%dma_wait3A_264 : memref<80x128xf32, #tpu.memory_space<hbm>>) dst(%arg13 : memref<80x128xf32, #tpu.memory_space<vmem>>)
          } else {
          }
          %add3A_250 = arith.constant 2 : i32
          %add3A_251 = arith.addi %add3A_168, %add3A_250 : i32
          %mul3A_252 = arith.constant 80 : i32
          %mul3A_253 = arith.muli %add3A_251, %mul3A_252 : i32
          %add3A_254 = arith.addi %mul3A_90, %mul3A_253 : i32
          %dma_start3A_255 = tpu.memref_slice %arg8[%add3A_254] : memref<3200xi32, #tpu.memory_space<vmem>> -> memref<80xi32, #tpu.memory_space<vmem>>
          %dma_start3A_256 = arith.constant 0 : i32
          %dma_start3A_257 = arith.constant 0 : i32
          %dma_start3A_258 = tpu.memref_slice %arg2[%dma_start3A_256, %dma_start3A_257] : memref<50000x128xf32, #tpu.memory_space<hbm>> -> memref<50000x128xf32, #tpu.memory_space<hbm>>
          tpu.enqueue_indirect_dma source(%dma_start3A_258 : memref<50000x128xf32, #tpu.memory_space<hbm>>) target(%arg13 : memref<80x128xf32, #tpu.memory_space<vmem>>) offsets(%dma_start3A_255 : memref<80xi32, #tpu.memory_space<vmem>>) semaphore(%arg18 : memref<!tpu.dma_semaphore, #tpu.memory_space<semaphore_mem>>)
        } else {
        }
        %mul3A_191 = arith.constant 4 : i32
        %mul3A_192 = arith.muli %mul3A_191, %add3A_138 : i32
        %add3A_193 = arith.constant 2 : i32
        %add3A_194 = arith.addi %mul3A_192, %add3A_193 : i32
        %dma_wait3A_195 = arith.constant 0 : i32
        %dma_wait3A_196 = arith.constant 0 : i32
        %dma_wait3A_197 = tpu.memref_slice %arg2[%dma_wait3A_195, %dma_wait3A_196] : memref<50000x128xf32, #tpu.memory_space<hbm>> -> memref<80x128xf32, #tpu.memory_space<hbm>>
        %dma_wait3A_198 = arith.constant 0 : i32
        %dma_wait3A_199 = arith.constant 0 : i32
        %dma_wait3A_200 = tpu.memref_slice %arg2[%dma_wait3A_198, %dma_wait3A_199] : memref<50000x128xf32, #tpu.memory_space<hbm>> -> memref<80x128xf32, #tpu.memory_space<hbm>>
        tpu.wait_dma2 semaphore(%arg17 : memref<!tpu.dma_semaphore, #tpu.memory_space<semaphore_mem>>) src(%dma_wait3A_200 : memref<80x128xf32, #tpu.memory_space<hbm>>) dst(%arg12 : memref<80x128xf32, #tpu.memory_space<vmem>>)
        %mul3A_201 = arith.constant 20 : i32
        %mul3A_202 = arith.muli %rem3A_88, %mul3A_201 : i32
        %add3A_203 = arith.addi %mul3A_202, %add3A_194 : i32
        %dma_start3A_204 = arith.constant 0 : i32
        %dma_start3A_205 = tpu.memref_slice %arg9[%add3A_203, %dma_start3A_204] : memref<40x80xi32, #tpu.memory_space<vmem>> -> memref<1x80xi32, #tpu.memory_space<vmem>>
        %dma_start3A_206 = tpu.memref_squeeze %dma_start3A_205 : memref<1x80xi32, #tpu.memory_space<vmem>> -> memref<80xi32, #tpu.memory_space<vmem>>
        %dma_start3A_207 = arith.constant 0 : i32
        %dma_start3A_208 = arith.constant 0 : i32
        %dma_start3A_209 = tpu.memref_slice %arg14[%dma_start3A_207, %dma_start3A_208] : memref<10000x128xf32, #tpu.memory_space<vmem_shared>> -> memref<10000x128xf32, #tpu.memory_space<vmem_shared>>
        tpu.enqueue_indirect_dma source(%arg12 : memref<80x128xf32, #tpu.memory_space<vmem>>) target(%dma_start3A_209 : memref<10000x128xf32, #tpu.memory_space<vmem_shared>>) offsets(%dma_start3A_206 : memref<80xi32, #tpu.memory_space<vmem>>) semaphore(%arg21 : memref<!tpu.dma_semaphore, #tpu.memory_space<semaphore_mem>>) {add = true}
        %add3A_210 = arith.constant 2 : i32
        %add3A_211 = arith.addi %add3A_194, %add3A_210 : i32
        %lt3A_212 = arith.constant 20 : i32
        %lt3A_213 = arith.cmpi slt, %add3A_211, %lt3A_212 : i32
        %convert_element_type3A_214 = arith.extui %lt3A_213 : i1 to i32
        %cond3A_215 = arith.constant 0 : i32
        %cond3A_216 = arith.cmpi ne, %convert_element_type3A_214, %cond3A_215 : i32
        scf.if %cond3A_216 {
          %mul3A_243 = arith.constant 20 : i32
          %mul3A_244 = arith.muli %add3A_86, %mul3A_243 : i32
          %add3A_245 = arith.addi %mul3A_244, %add3A_194 : i32
          %ge3A = arith.constant 2 : i32
          %ge3A_246 = arith.cmpi sge, %add3A_245, %ge3A : i32
          %convert_element_type3A_247 = arith.extui %ge3A_246 : i1 to i32
          %cond3A_248 = arith.constant 0 : i32
          %cond3A_249 = arith.cmpi ne, %convert_element_type3A_247, %cond3A_248 : i32
          scf.if %cond3A_249 {
            %dma_wait3A_259 = arith.constant 0 : i32
            %dma_wait3A_260 = arith.constant 0 : i32
            %dma_wait3A_261 = tpu.memref_slice %arg2[%dma_wait3A_259, %dma_wait3A_260] : memref<50000x128xf32, #tpu.memory_space<hbm>> -> memref<80x128xf32, #tpu.memory_space<hbm>>
            %dma_wait3A_262 = arith.constant 0 : i32
            %dma_wait3A_263 = arith.constant 0 : i32
            %dma_wait3A_264 = tpu.memref_slice %arg2[%dma_wait3A_262, %dma_wait3A_263] : memref<50000x128xf32, #tpu.memory_space<hbm>> -> memref<80x128xf32, #tpu.memory_space<hbm>>
            tpu.wait_dma2 semaphore(%arg19 : memref<!tpu.dma_semaphore, #tpu.memory_space<semaphore_mem>>) src(%dma_wait3A_264 : memref<80x128xf32, #tpu.memory_space<hbm>>) dst(%arg10 : memref<80x128xf32, #tpu.memory_space<vmem>>)
          } else {
          }
          %add3A_250 = arith.constant 2 : i32
          %add3A_251 = arith.addi %add3A_194, %add3A_250 : i32
          %mul3A_252 = arith.constant 80 : i32
          %mul3A_253 = arith.muli %add3A_251, %mul3A_252 : i32
          %add3A_254 = arith.addi %mul3A_90, %mul3A_253 : i32
          %dma_start3A_255 = tpu.memref_slice %arg8[%add3A_254] : memref<3200xi32, #tpu.memory_space<vmem>> -> memref<80xi32, #tpu.memory_space<vmem>>
          %dma_start3A_256 = arith.constant 0 : i32
          %dma_start3A_257 = arith.constant 0 : i32
          %dma_start3A_258 = tpu.memref_slice %arg2[%dma_start3A_256, %dma_start3A_257] : memref<50000x128xf32, #tpu.memory_space<hbm>> -> memref<50000x128xf32, #tpu.memory_space<hbm>>
          tpu.enqueue_indirect_dma source(%dma_start3A_258 : memref<50000x128xf32, #tpu.memory_space<hbm>>) target(%arg10 : memref<80x128xf32, #tpu.memory_space<vmem>>) offsets(%dma_start3A_255 : memref<80xi32, #tpu.memory_space<vmem>>) semaphore(%arg15 : memref<!tpu.dma_semaphore, #tpu.memory_space<semaphore_mem>>)
        } else {
        }
        %mul3A_217 = arith.constant 4 : i32
        %mul3A_218 = arith.muli %mul3A_217, %add3A_138 : i32
        %add3A_219 = arith.constant 3 : i32
        %add3A_220 = arith.addi %mul3A_218, %add3A_219 : i32
        %dma_wait3A_221 = arith.constant 0 : i32
        %dma_wait3A_222 = arith.constant 0 : i32
        %dma_wait3A_223 = tpu.memref_slice %arg2[%dma_wait3A_221, %dma_wait3A_222] : memref<50000x128xf32, #tpu.memory_space<hbm>> -> memref<80x128xf32, #tpu.memory_space<hbm>>
        %dma_wait3A_224 = arith.constant 0 : i32
        %dma_wait3A_225 = arith.constant 0 : i32
        %dma_wait3A_226 = tpu.memref_slice %arg2[%dma_wait3A_224, %dma_wait3A_225] : memref<50000x128xf32, #tpu.memory_space<hbm>> -> memref<80x128xf32, #tpu.memory_space<hbm>>
        tpu.wait_dma2 semaphore(%arg18 : memref<!tpu.dma_semaphore, #tpu.memory_space<semaphore_mem>>) src(%dma_wait3A_226 : memref<80x128xf32, #tpu.memory_space<hbm>>) dst(%arg13 : memref<80x128xf32, #tpu.memory_space<vmem>>)
        %mul3A_227 = arith.constant 20 : i32
        %mul3A_228 = arith.muli %rem3A_88, %mul3A_227 : i32
        %add3A_229 = arith.addi %mul3A_228, %add3A_220 : i32
        %dma_start3A_230 = arith.constant 0 : i32
        %dma_start3A_231 = tpu.memref_slice %arg9[%add3A_229, %dma_start3A_230] : memref<40x80xi32, #tpu.memory_space<vmem>> -> memref<1x80xi32, #tpu.memory_space<vmem>>
        %dma_start3A_232 = tpu.memref_squeeze %dma_start3A_231 : memref<1x80xi32, #tpu.memory_space<vmem>> -> memref<80xi32, #tpu.memory_space<vmem>>
        %dma_start3A_233 = arith.constant 0 : i32
        %dma_start3A_234 = arith.constant 0 : i32
        %dma_start3A_235 = tpu.memref_slice %arg14[%dma_start3A_233, %dma_start3A_234] : memref<10000x128xf32, #tpu.memory_space<vmem_shared>> -> memref<10000x128xf32, #tpu.memory_space<vmem_shared>>
        tpu.enqueue_indirect_dma source(%arg13 : memref<80x128xf32, #tpu.memory_space<vmem>>) target(%dma_start3A_235 : memref<10000x128xf32, #tpu.memory_space<vmem_shared>>) offsets(%dma_start3A_232 : memref<80xi32, #tpu.memory_space<vmem>>) semaphore(%arg22 : memref<!tpu.dma_semaphore, #tpu.memory_space<semaphore_mem>>) {add = true}
        %add3A_236 = arith.constant 2 : i32
        %add3A_237 = arith.addi %add3A_220, %add3A_236 : i32
        %lt3A_238 = arith.constant 20 : i32
        %lt3A_239 = arith.cmpi slt, %add3A_237, %lt3A_238 : i32
        %convert_element_type3A_240 = arith.extui %lt3A_239 : i1 to i32
        %cond3A_241 = arith.constant 0 : i32
        %cond3A_242 = arith.cmpi ne, %convert_element_type3A_240, %cond3A_241 : i32
        scf.if %cond3A_242 {
          %mul3A_243 = arith.constant 20 : i32
          %mul3A_244 = arith.muli %add3A_86, %mul3A_243 : i32
          %add3A_245 = arith.addi %mul3A_244, %add3A_220 : i32
          %ge3A = arith.constant 2 : i32
          %ge3A_246 = arith.cmpi sge, %add3A_245, %ge3A : i32
          %convert_element_type3A_247 = arith.extui %ge3A_246 : i1 to i32
          %cond3A_248 = arith.constant 0 : i32
          %cond3A_249 = arith.cmpi ne, %convert_element_type3A_247, %cond3A_248 : i32
          scf.if %cond3A_249 {
            %dma_wait3A_259 = arith.constant 0 : i32
            %dma_wait3A_260 = arith.constant 0 : i32
            %dma_wait3A_261 = tpu.memref_slice %arg2[%dma_wait3A_259, %dma_wait3A_260] : memref<50000x128xf32, #tpu.memory_space<hbm>> -> memref<80x128xf32, #tpu.memory_space<hbm>>
            %dma_wait3A_262 = arith.constant 0 : i32
            %dma_wait3A_263 = arith.constant 0 : i32
            %dma_wait3A_264 = tpu.memref_slice %arg2[%dma_wait3A_262, %dma_wait3A_263] : memref<50000x128xf32, #tpu.memory_space<hbm>> -> memref<80x128xf32, #tpu.memory_space<hbm>>
            tpu.wait_dma2 semaphore(%arg20 : memref<!tpu.dma_semaphore, #tpu.memory_space<semaphore_mem>>) src(%dma_wait3A_264 : memref<80x128xf32, #tpu.memory_space<hbm>>) dst(%arg11 : memref<80x128xf32, #tpu.memory_space<vmem>>)
          } else {
          }
          %add3A_250 = arith.constant 2 : i32
          %add3A_251 = arith.addi %add3A_220, %add3A_250 : i32
          %mul3A_252 = arith.constant 80 : i32
          %mul3A_253 = arith.muli %add3A_251, %mul3A_252 : i32
          %add3A_254 = arith.addi %mul3A_90, %mul3A_253 : i32
          %dma_start3A_255 = tpu.memref_slice %arg8[%add3A_254] : memref<3200xi32, #tpu.memory_space<vmem>> -> memref<80xi32, #tpu.memory_space<vmem>>
          %dma_start3A_256 = arith.constant 0 : i32
          %dma_start3A_257 = arith.constant 0 : i32
          %dma_start3A_258 = tpu.memref_slice %arg2[%dma_start3A_256, %dma_start3A_257] : memref<50000x128xf32, #tpu.memory_space<hbm>> -> memref<50000x128xf32, #tpu.memory_space<hbm>>
          tpu.enqueue_indirect_dma source(%dma_start3A_258 : memref<50000x128xf32, #tpu.memory_space<hbm>>) target(%arg11 : memref<80x128xf32, #tpu.memory_space<vmem>>) offsets(%dma_start3A_255 : memref<80xi32, #tpu.memory_space<vmem>>) semaphore(%arg16 : memref<!tpu.dma_semaphore, #tpu.memory_space<semaphore_mem>>)
        } else {
        }
      }
      %scan3A_126 = arith.constant 5 : i32
      %add3A_127 = arith.constant 1 : i32
      %add3A_128 = arith.addi %add3A_86, %add3A_127 : i32
      %lt3A_129 = arith.constant 25 : i32
      %lt3A_130 = arith.cmpi slt, %add3A_128, %lt3A_129 : i32
      %convert_element_type3A_131 = arith.extui %lt3A_130 : i1 to i32
      %cond3A_132 = arith.constant 0 : i32
      %cond3A_133 = arith.cmpi ne, %convert_element_type3A_131, %cond3A_132 : i32
      scf.if %cond3A_133 {
        %dma_wait3A_134 = tpu.memref_slice %arg8[%mul3A_94] : memref<3200xi32, #tpu.memory_space<vmem>> -> memref<1600xi32, #tpu.memory_space<vmem>>
        %dma_wait3A_135 = tpu.memref_slice %arg3[%add3A_43] : memref<1280000xi32, #tpu.memory_space<hbm>> -> memref<1600xi32, #tpu.memory_space<hbm>>
        %dma_wait3A_136 = tpu.memref_slice %arg8[%mul3A_94] : memref<3200xi32, #tpu.memory_space<vmem>> -> memref<1600xi32, #tpu.memory_space<vmem>>
        %dma_wait3A_137 = tpu.memref_slice %arg3[%add3A_43] : memref<1280000xi32, #tpu.memory_space<hbm>> -> memref<1600xi32, #tpu.memory_space<hbm>>
        tpu.wait_dma2 semaphore(%arg23 : memref<!tpu.dma_semaphore, #tpu.memory_space<semaphore_mem>>) src(%dma_wait3A_137 : memref<1600xi32, #tpu.memory_space<hbm>>) dst(%dma_wait3A_136 : memref<1600xi32, #tpu.memory_space<vmem>>)
        %sub3A_138 = arith.constant 1 : i32
        %sub3A_139 = arith.subi %sub3A_138, %rem3A_88 : i32
        %mul3A_140 = arith.constant 20 : i32
        %mul3A_141 = arith.muli %sub3A_139, %mul3A_140 : i32
        %dma_wait3A_142 = arith.constant 0 : i32
        %dma_wait3A_143 = arith.constant 0 : i32
        %dma_wait3A_144 = tpu.memref_slice %arg9[%mul3A_141, %dma_wait3A_143] : memref<40x80xi32, #tpu.memory_space<vmem>> -> memref<20x80xi32, #tpu.memory_space<vmem>>
        %dma_wait3A_145 = arith.constant 0 : i32
        %dma_wait3A_146 = arith.constant 0 : i32
        %dma_wait3A_147 = tpu.memref_slice %arg4[%select_n3A, %select_n3A_30, %dma_wait3A_142, %dma_wait3A_145, %dma_wait3A_146] : memref<4x8x25x20x80xi32, #tpu.memory_space<hbm>> -> memref<1x1x1x20x80xi32, #tpu.memory_space<hbm>>
        %dma_wait3A_148 = tpu.memref_squeeze %dma_wait3A_147 : memref<1x1x1x20x80xi32, #tpu.memory_space<hbm>> -> memref<20x80xi32, #tpu.memory_space<hbm>>
        %dma_wait3A_149 = arith.constant 0 : i32
        %dma_wait3A_150 = tpu.memref_slice %arg9[%mul3A_141, %dma_wait3A_149] : memref<40x80xi32, #tpu.memory_space<vmem>> -> memref<20x80xi32, #tpu.memory_space<vmem>>
        %dma_wait3A_151 = arith.constant 0 : i32
        %dma_wait3A_152 = arith.constant 0 : i32
        %dma_wait3A_153 = tpu.memref_slice %arg4[%select_n3A, %select_n3A_30, %dma_wait3A_142, %dma_wait3A_151, %dma_wait3A_152] : memref<4x8x25x20x80xi32, #tpu.memory_space<hbm>> -> memref<1x1x1x20x80xi32, #tpu.memory_space<hbm>>
        %dma_wait3A_154 = tpu.memref_squeeze %dma_wait3A_153 : memref<1x1x1x20x80xi32, #tpu.memory_space<hbm>> -> memref<20x80xi32, #tpu.memory_space<hbm>>
        tpu.wait_dma2 semaphore(%arg23 : memref<!tpu.dma_semaphore, #tpu.memory_space<semaphore_mem>>) src(%dma_wait3A_154 : memref<20x80xi32, #tpu.memory_space<hbm>>) dst(%dma_wait3A_150 : memref<20x80xi32, #tpu.memory_space<vmem>>)
      } else {
      }
    }
    %scan3A_47 = arith.constant 25 : i32
    %dma_wait3A = arith.constant 0 : i32
    %dma_wait3A_48 = arith.constant 0 : i32
    %dma_wait3A_49 = tpu.memref_slice %arg2[%dma_wait3A, %dma_wait3A_48] : memref<50000x128xf32, #tpu.memory_space<hbm>> -> memref<80x128xf32, #tpu.memory_space<hbm>>
    %dma_wait3A_50 = arith.constant 0 : i32
    %dma_wait3A_51 = arith.constant 0 : i32
    %dma_wait3A_52 = tpu.memref_slice %arg2[%dma_wait3A_50, %dma_wait3A_51] : memref<50000x128xf32, #tpu.memory_space<hbm>> -> memref<80x128xf32, #tpu.memory_space<hbm>>
    tpu.wait_dma2 semaphore(%arg19 : memref<!tpu.dma_semaphore, #tpu.memory_space<semaphore_mem>>) src(%dma_wait3A_52 : memref<80x128xf32, #tpu.memory_space<hbm>>) dst(%arg10 : memref<80x128xf32, #tpu.memory_space<vmem>>)
    %dma_wait3A_53 = arith.constant 0 : i32
    %dma_wait3A_54 = arith.constant 0 : i32
    %dma_wait3A_55 = tpu.memref_slice %arg2[%dma_wait3A_53, %dma_wait3A_54] : memref<50000x128xf32, #tpu.memory_space<hbm>> -> memref<80x128xf32, #tpu.memory_space<hbm>>
    %dma_wait3A_56 = arith.constant 0 : i32
    %dma_wait3A_57 = arith.constant 0 : i32
    %dma_wait3A_58 = tpu.memref_slice %arg2[%dma_wait3A_56, %dma_wait3A_57] : memref<50000x128xf32, #tpu.memory_space<hbm>> -> memref<80x128xf32, #tpu.memory_space<hbm>>
    tpu.wait_dma2 semaphore(%arg20 : memref<!tpu.dma_semaphore, #tpu.memory_space<semaphore_mem>>) src(%dma_wait3A_58 : memref<80x128xf32, #tpu.memory_space<hbm>>) dst(%arg11 : memref<80x128xf32, #tpu.memory_space<vmem>>)
    %dma_wait3A_59 = arith.constant 0 : i32
    %dma_wait3A_60 = arith.constant 0 : i32
    %dma_wait3A_61 = tpu.memref_slice %arg2[%dma_wait3A_59, %dma_wait3A_60] : memref<50000x128xf32, #tpu.memory_space<hbm>> -> memref<80x128xf32, #tpu.memory_space<hbm>>
    %dma_wait3A_62 = arith.constant 0 : i32
    %dma_wait3A_63 = arith.constant 0 : i32
    %dma_wait3A_64 = tpu.memref_slice %arg2[%dma_wait3A_62, %dma_wait3A_63] : memref<50000x128xf32, #tpu.memory_space<hbm>> -> memref<80x128xf32, #tpu.memory_space<hbm>>
    tpu.wait_dma2 semaphore(%arg21 : memref<!tpu.dma_semaphore, #tpu.memory_space<semaphore_mem>>) src(%dma_wait3A_64 : memref<80x128xf32, #tpu.memory_space<hbm>>) dst(%arg12 : memref<80x128xf32, #tpu.memory_space<vmem>>)
    %dma_wait3A_65 = arith.constant 0 : i32
    %dma_wait3A_66 = arith.constant 0 : i32
    %dma_wait3A_67 = tpu.memref_slice %arg2[%dma_wait3A_65, %dma_wait3A_66] : memref<50000x128xf32, #tpu.memory_space<hbm>> -> memref<80x128xf32, #tpu.memory_space<hbm>>
    %dma_wait3A_68 = arith.constant 0 : i32
    %dma_wait3A_69 = arith.constant 0 : i32
    %dma_wait3A_70 = tpu.memref_slice %arg2[%dma_wait3A_68, %dma_wait3A_69] : memref<50000x128xf32, #tpu.memory_space<hbm>> -> memref<80x128xf32, #tpu.memory_space<hbm>>
    tpu.wait_dma2 semaphore(%arg22 : memref<!tpu.dma_semaphore, #tpu.memory_space<semaphore_mem>>) src(%dma_wait3A_70 : memref<80x128xf32, #tpu.memory_space<hbm>>) dst(%arg13 : memref<80x128xf32, #tpu.memory_space<vmem>>)
    %barrier3A_71 = arith.constant 0 : index
    tpu.barrier barrier_id(%barrier3A_71)
    %eq3A_72 = arith.constant 0 : i32
    %eq3A_73 = arith.cmpi eq, %arg0, %eq3A_72 : i32
    %convert_element_type3A_74 = arith.extui %eq3A_73 : i1 to i32
    %cond3A_75 = arith.constant 0 : i32
    %cond3A_76 = arith.cmpi ne, %convert_element_type3A_74, %cond3A_75 : i32
    scf.if %cond3A_76 {
      %lt3A_82 = arith.constant 15 : i32
      %lt3A_83 = arith.cmpi slt, %arg1, %lt3A_82 : i32
      %convert_element_type3A_84 = arith.extui %lt3A_83 : i1 to i32
      %cond3A_85 = arith.constant 0 : i32
      %cond3A_86 = arith.cmpi ne, %convert_element_type3A_84, %cond3A_85 : i32
      scf.if %cond3A_86 {
        %mul3A_92 = arith.constant 624 : i32
        %mul3A_93 = arith.muli %arg1, %mul3A_92 : i32
        %mul3A_94 = arith.constant 624 : i32
        %mul3A_95 = arith.muli %arg1, %mul3A_94 : i32
        "tpu.region"() ({
          %run_scoped3A_96 = tpu.sem_alloc : memref<!tpu.dma_semaphore, #tpu.memory_space<semaphore_mem>>
          %dma_start3A = arith.constant 0 : i32
          %dma_start3A_97 = tpu.memref_slice %arg6[%mul3A_95, %dma_start3A] : memref<10000x128xf32, #tpu.memory_space<hbm>> -> memref<624x128xf32, #tpu.memory_space<hbm>>
          %dma_start3A_98 = arith.constant 0 : i32
          %dma_start3A_99 = tpu.memref_slice %arg14[%mul3A_93, %dma_start3A_98] : memref<10000x128xf32, #tpu.memory_space<vmem_shared>> -> memref<624x128xf32, #tpu.memory_space<vmem_shared>>
          tpu.enqueue_dma source(%dma_start3A_99 : memref<624x128xf32, #tpu.memory_space<vmem_shared>>) target(%dma_start3A_97 : memref<624x128xf32, #tpu.memory_space<hbm>>) target_semaphore(%run_scoped3A_96 : memref<!tpu.dma_semaphore, #tpu.memory_space<semaphore_mem>>)
          %dma_wait3A_100 = arith.constant 0 : i32
          %dma_wait3A_101 = tpu.memref_slice %arg6[%mul3A_95, %dma_wait3A_100] : memref<10000x128xf32, #tpu.memory_space<hbm>> -> memref<624x128xf32, #tpu.memory_space<hbm>>
          %dma_wait3A_102 = arith.constant 0 : i32
          %dma_wait3A_103 = tpu.memref_slice %arg14[%mul3A_93, %dma_wait3A_102] : memref<10000x128xf32, #tpu.memory_space<vmem_shared>> -> memref<624x128xf32, #tpu.memory_space<vmem_shared>>
          tpu.wait_dma2 semaphore(%run_scoped3A_96 : memref<!tpu.dma_semaphore, #tpu.memory_space<semaphore_mem>>) src(%dma_wait3A_103 : memref<624x128xf32, #tpu.memory_space<vmem_shared>>) dst(%dma_wait3A_101 : memref<624x128xf32, #tpu.memory_space<hbm>>)
          tpu.yield
        }) : () -> ()
      } else {
      }
      %eq3A_87 = arith.constant 15 : i32
      %eq3A_88 = arith.cmpi eq, %arg1, %eq3A_87 : i32
      %convert_element_type3A_89 = arith.extui %eq3A_88 : i1 to i32
      %cond3A_90 = arith.constant 0 : i32
      %cond3A_91 = arith.cmpi ne, %convert_element_type3A_89, %cond3A_90 : i32
      scf.if %cond3A_91 {
        "tpu.region"() ({
          %run_scoped3A_92 = tpu.sem_alloc : memref<!tpu.dma_semaphore, #tpu.memory_space<semaphore_mem>>
          %dma_start3A = arith.constant 9360 : i32
          %dma_start3A_93 = arith.constant 0 : i32
          %dma_start3A_94 = tpu.memref_slice %arg6[%dma_start3A, %dma_start3A_93] : memref<10000x128xf32, #tpu.memory_space<hbm>> -> memref<640x128xf32, #tpu.memory_space<hbm>>
          %dma_start3A_95 = arith.constant 9360 : i32
          %dma_start3A_96 = arith.constant 0 : i32
          %dma_start3A_97 = tpu.memref_slice %arg14[%dma_start3A_95, %dma_start3A_96] : memref<10000x128xf32, #tpu.memory_space<vmem_shared>> -> memref<640x128xf32, #tpu.memory_space<vmem_shared>>
          tpu.enqueue_dma source(%dma_start3A_97 : memref<640x128xf32, #tpu.memory_space<vmem_shared>>) target(%dma_start3A_94 : memref<640x128xf32, #tpu.memory_space<hbm>>) target_semaphore(%run_scoped3A_92 : memref<!tpu.dma_semaphore, #tpu.memory_space<semaphore_mem>>)
          %dma_wait3A_98 = arith.constant 9360 : i32
          %dma_wait3A_99 = arith.constant 0 : i32
          %dma_wait3A_100 = tpu.memref_slice %arg6[%dma_wait3A_98, %dma_wait3A_99] : memref<10000x128xf32, #tpu.memory_space<hbm>> -> memref<640x128xf32, #tpu.memory_space<hbm>>
          %dma_wait3A_101 = arith.constant 9360 : i32
          %dma_wait3A_102 = arith.constant 0 : i32
          %dma_wait3A_103 = tpu.memref_slice %arg14[%dma_wait3A_101, %dma_wait3A_102] : memref<10000x128xf32, #tpu.memory_space<vmem_shared>> -> memref<640x128xf32, #tpu.memory_space<vmem_shared>>
          tpu.wait_dma2 semaphore(%run_scoped3A_92 : memref<!tpu.dma_semaphore, #tpu.memory_space<semaphore_mem>>) src(%dma_wait3A_103 : memref<640x128xf32, #tpu.memory_space<vmem_shared>>) dst(%dma_wait3A_100 : memref<640x128xf32, #tpu.memory_space<hbm>>)
          tpu.yield
        }) : () -> ()
      } else {
      }
    } else {
    }
    %eq3A_77 = arith.constant 1 : i32
    %eq3A_78 = arith.cmpi eq, %arg0, %eq3A_77 : i32
    %convert_element_type3A_79 = arith.extui %eq3A_78 : i1 to i32
    %cond3A_80 = arith.constant 0 : i32
    %cond3A_81 = arith.cmpi ne, %convert_element_type3A_79, %cond3A_80 : i32
    scf.if %cond3A_81 {
      %lt3A_82 = arith.constant 15 : i32
      %lt3A_83 = arith.cmpi slt, %arg1, %lt3A_82 : i32
      %convert_element_type3A_84 = arith.extui %lt3A_83 : i1 to i32
      %cond3A_85 = arith.constant 0 : i32
      %cond3A_86 = arith.cmpi ne, %convert_element_type3A_84, %cond3A_85 : i32
      scf.if %cond3A_86 {
        %mul3A_92 = arith.constant 624 : i32
        %mul3A_93 = arith.muli %arg1, %mul3A_92 : i32
        %mul3A_94 = arith.constant 624 : i32
        %mul3A_95 = arith.muli %arg1, %mul3A_94 : i32
        "tpu.region"() ({
          %run_scoped3A_96 = tpu.sem_alloc : memref<!tpu.dma_semaphore, #tpu.memory_space<semaphore_mem>>
          %dma_start3A = arith.constant 0 : i32
          %dma_start3A_97 = tpu.memref_slice %arg7[%mul3A_95, %dma_start3A] : memref<10000x128xf32, #tpu.memory_space<hbm>> -> memref<624x128xf32, #tpu.memory_space<hbm>>
          %dma_start3A_98 = arith.constant 0 : i32
          %dma_start3A_99 = tpu.memref_slice %arg14[%mul3A_93, %dma_start3A_98] : memref<10000x128xf32, #tpu.memory_space<vmem_shared>> -> memref<624x128xf32, #tpu.memory_space<vmem_shared>>
          tpu.enqueue_dma source(%dma_start3A_99 : memref<624x128xf32, #tpu.memory_space<vmem_shared>>) target(%dma_start3A_97 : memref<624x128xf32, #tpu.memory_space<hbm>>) target_semaphore(%run_scoped3A_96 : memref<!tpu.dma_semaphore, #tpu.memory_space<semaphore_mem>>)
          %dma_wait3A_100 = arith.constant 0 : i32
          %dma_wait3A_101 = tpu.memref_slice %arg7[%mul3A_95, %dma_wait3A_100] : memref<10000x128xf32, #tpu.memory_space<hbm>> -> memref<624x128xf32, #tpu.memory_space<hbm>>
          %dma_wait3A_102 = arith.constant 0 : i32
          %dma_wait3A_103 = tpu.memref_slice %arg14[%mul3A_93, %dma_wait3A_102] : memref<10000x128xf32, #tpu.memory_space<vmem_shared>> -> memref<624x128xf32, #tpu.memory_space<vmem_shared>>
          tpu.wait_dma2 semaphore(%run_scoped3A_96 : memref<!tpu.dma_semaphore, #tpu.memory_space<semaphore_mem>>) src(%dma_wait3A_103 : memref<624x128xf32, #tpu.memory_space<vmem_shared>>) dst(%dma_wait3A_101 : memref<624x128xf32, #tpu.memory_space<hbm>>)
          tpu.yield
        }) : () -> ()
      } else {
      }
      %eq3A_87 = arith.constant 15 : i32
      %eq3A_88 = arith.cmpi eq, %arg1, %eq3A_87 : i32
      %convert_element_type3A_89 = arith.extui %eq3A_88 : i1 to i32
      %cond3A_90 = arith.constant 0 : i32
      %cond3A_91 = arith.cmpi ne, %convert_element_type3A_89, %cond3A_90 : i32
      scf.if %cond3A_91 {
        "tpu.region"() ({
          %run_scoped3A_92 = tpu.sem_alloc : memref<!tpu.dma_semaphore, #tpu.memory_space<semaphore_mem>>
          %dma_start3A = arith.constant 9360 : i32
          %dma_start3A_93 = arith.constant 0 : i32
          %dma_start3A_94 = tpu.memref_slice %arg7[%dma_start3A, %dma_start3A_93] : memref<10000x128xf32, #tpu.memory_space<hbm>> -> memref<640x128xf32, #tpu.memory_space<hbm>>
          %dma_start3A_95 = arith.constant 9360 : i32
          %dma_start3A_96 = arith.constant 0 : i32
          %dma_start3A_97 = tpu.memref_slice %arg14[%dma_start3A_95, %dma_start3A_96] : memref<10000x128xf32, #tpu.memory_space<vmem_shared>> -> memref<640x128xf32, #tpu.memory_space<vmem_shared>>
          tpu.enqueue_dma source(%dma_start3A_97 : memref<640x128xf32, #tpu.memory_space<vmem_shared>>) target(%dma_start3A_94 : memref<640x128xf32, #tpu.memory_space<hbm>>) target_semaphore(%run_scoped3A_92 : memref<!tpu.dma_semaphore, #tpu.memory_space<semaphore_mem>>)
          %dma_wait3A_98 = arith.constant 9360 : i32
          %dma_wait3A_99 = arith.constant 0 : i32
          %dma_wait3A_100 = tpu.memref_slice %arg7[%dma_wait3A_98, %dma_wait3A_99] : memref<10000x128xf32, #tpu.memory_space<hbm>> -> memref<640x128xf32, #tpu.memory_space<hbm>>
          %dma_wait3A_101 = arith.constant 9360 : i32
          %dma_wait3A_102 = arith.constant 0 : i32
          %dma_wait3A_103 = tpu.memref_slice %arg14[%dma_wait3A_101, %dma_wait3A_102] : memref<10000x128xf32, #tpu.memory_space<vmem_shared>> -> memref<640x128xf32, #tpu.memory_space<vmem_shared>>
          tpu.wait_dma2 semaphore(%run_scoped3A_92 : memref<!tpu.dma_semaphore, #tpu.memory_space<semaphore_mem>>) src(%dma_wait3A_103 : memref<640x128xf32, #tpu.memory_space<vmem_shared>>) dst(%dma_wait3A_100 : memref<640x128xf32, #tpu.memory_space<hbm>>)
          tpu.yield
        }) : () -> ()
      } else {
      }
    } else {
    }
    return
  }
}

module attributes {stable_mosaic.version = 14 : i64} {
  func.func @_mm_body(%arg0: i32, %arg1: memref<10000x128xf32, #tpu.memory_space<vmem>>, %arg2: memref<1x128x128xf32, #tpu.memory_space<vmem>>, %arg3: memref<10000x128xf32, #tpu.memory_space<vmem>>) attributes {dimension_semantics = [#tpu.dimension_semantics<arbitrary>], iteration_bounds = array<i64: 5>, scalar_prefetch = 0 : i64, scratch_operands = 0 : i64, tpu.core_type = #tpu.core_type<tc>, window_params = [{pipeline_mode = #tpu.pipeline_mode<synchronous>, transform_indices = @transform_0, window_bounds = array<i64: 10000, 128>}, {transform_indices = @transform_1, window_bounds = array<i64: 1, 128, 128>}, {transform_indices = @transform_2, window_bounds = array<i64: 10000, 128>}]} {
    %get3A = arith.constant 0 : index
    %get3A_0 = arith.constant 0 : index
    %get3A_1 = vector.load %arg1[%get3A, %get3A_0] : memref<10000x128xf32, #tpu.memory_space<vmem>>, vector<10000x128xf32>
    %get3A_2 = arith.constant 0 : index
    %get3A_3 = arith.constant 0 : index
    %get3A_4 = arith.constant 0 : index
    %get3A_5 = vector.load %arg2[%get3A_2, %get3A_3, %get3A_4] : memref<1x128x128xf32, #tpu.memory_space<vmem>>, vector<1x128x128xf32>
    %get3A_6 = vector.shape_cast %get3A_5 : vector<1x128x128xf32> to vector<128x128xf32>
    %dot_general3A = arith.constant dense<0.000000e+00> : vector<10000x128xf32>
    %dot_general3A_7 = tpu.matmul %get3A_1, %get3A_6, %dot_general3A {dimension_numbers = #tpu.dot_dimension_numbers<[1], [1], [0], [0], [0, 0, 1, 0], [], []>, transpose_lhs_hint = false} : vector<10000x128xf32>, vector<128x128xf32>, vector<10000x128xf32> -> vector<10000x128xf32>
    %swap3A = arith.constant 0 : index
    %swap3A_8 = arith.constant 0 : index
    %swap3A_9 = vector.load %arg3[%swap3A, %swap3A_8] : memref<10000x128xf32, #tpu.memory_space<vmem>>, vector<10000x128xf32>
    tpu.vector_store %arg3[%swap3A, %swap3A_8], %dot_general3A_7 {strides = array<i32>} : memref<10000x128xf32, #tpu.memory_space<vmem>>, vector<10000x128xf32>,
    return
  }
  func.func @transform_0(%arg0: i32) -> (i32, i32) {
    %c0_i32 = arith.constant 0 : i32
    %c0_i32_0 = arith.constant 0 : i32
    %c0_i32_1 = arith.constant 0 : i32
    return %c0_i32, %c0_i32_0 : i32, i32
  }
  func.func @transform_1(%arg0: i32) -> (i32, i32, i32) {
    %c0_i32 = arith.constant 0 : i32
    %c0_i32_0 = arith.constant 0 : i32
    %c0_i32_1 = arith.constant 0 : i32
    return %arg0, %c0_i32, %c0_i32_0 : i32, i32, i32
  }
  func.func @transform_2(%arg0: i32) -> (i32, i32) {
    %c0_i32 = arith.constant 0 : i32
    %c0_i32_0 = arith.constant 0 : i32
    return %arg0, %c0_i32 : i32, i32
  }
}

module attributes {stable_mosaic.version = 14 : i64} {
  func.func @_combine_body(%arg0: i32, %arg1: memref<400x128xf32, #tpu.memory_space<vmem>>, %arg2: memref<400x128xf32, #tpu.memory_space<vmem>>, %arg3: memref<400x128xf32, #tpu.memory_space<vmem>>, %arg4: memref<1x128xf32, #tpu.memory_space<vmem>>, %arg5: memref<400x128xf32, #tpu.memory_space<vmem>>) attributes {dimension_semantics = [#tpu.dimension_semantics<arbitrary>], iteration_bounds = array<i64: 25>, scalar_prefetch = 0 : i64, scratch_operands = 0 : i64, tpu.core_type = #tpu.core_type<tc>, window_params = [{transform_indices = @transform_0, window_bounds = array<i64: 400, 128>}, {transform_indices = @transform_1, window_bounds = array<i64: 400, 128>}, {transform_indices = @transform_2, window_bounds = array<i64: 400, 128>}, {pipeline_mode = #tpu.pipeline_mode<synchronous>, transform_indices = @transform_3, window_bounds = array<i64: 1, 128>}, {transform_indices = @transform_4, window_bounds = array<i64: 400, 128>}]} {
    %get3A = arith.constant 0 : index
    %get3A_0 = arith.constant 0 : index
    %get3A_1 = vector.load %arg1[%get3A, %get3A_0] : memref<400x128xf32, #tpu.memory_space<vmem>>, vector<400x128xf32>
    %get3A_2 = arith.constant 0 : index
    %get3A_3 = arith.constant 0 : index
    %get3A_4 = vector.load %arg2[%get3A_2, %get3A_3] : memref<400x128xf32, #tpu.memory_space<vmem>>, vector<400x128xf32>
    %add3A = arith.addf %get3A_1, %get3A_4 : vector<400x128xf32>
    %get3A_5 = arith.constant 0 : index
    %get3A_6 = arith.constant 0 : index
    %get3A_7 = vector.load %arg3[%get3A_5, %get3A_6] : memref<400x128xf32, #tpu.memory_space<vmem>>, vector<400x128xf32>
    %add3A_8 = arith.addf %add3A, %get3A_7 : vector<400x128xf32>
    %get3A_9 = arith.constant 0 : index
    %get3A_10 = arith.constant 0 : index
    %get3A_11 = vector.load %arg4[%get3A_9, %get3A_10] : memref<1x128xf32, #tpu.memory_space<vmem>>, vector<1x128xf32>
    %add3A_12 = vector.broadcast %get3A_11 : vector<1x128xf32> to vector<400x128xf32>
    %add3A_13 = arith.addf %add3A_8, %add3A_12 : vector<400x128xf32>
    %swap3A = arith.constant 0 : index
    %swap3A_14 = arith.constant 0 : index
    %swap3A_15 = vector.load %arg5[%swap3A, %swap3A_14] : memref<400x128xf32, #tpu.memory_space<vmem>>, vector<400x128xf32>
    tpu.vector_store %arg5[%swap3A, %swap3A_14], %add3A_13 {strides = array<i32>} : memref<400x128xf32, #tpu.memory_space<vmem>>, vector<400x128xf32>,
    return
  }
  func.func @transform_0(%arg0: i32) -> (i32, i32) {
    %c0_i32 = arith.constant 0 : i32
    %c0_i32_0 = arith.constant 0 : i32
    return %arg0, %c0_i32 : i32, i32
  }
  func.func @transform_1(%arg0: i32) -> (i32, i32) {
    %c0_i32 = arith.constant 0 : i32
    %c0_i32_0 = arith.constant 0 : i32
    return %arg0, %c0_i32 : i32, i32
  }
  func.func @transform_2(%arg0: i32) -> (i32, i32) {
    %c0_i32 = arith.constant 0 : i32
    %c0_i32_0 = arith.constant 0 : i32
    return %arg0, %c0_i32 : i32, i32
  }
  func.func @transform_3(%arg0: i32) -> (i32, i32) {
    %c0_i32 = arith.constant 0 : i32
    %c0_i32_0 = arith.constant 0 : i32
    %c0_i32_1 = arith.constant 0 : i32
    return %c0_i32, %c0_i32_0 : i32, i32
  }
  func.func @transform_4(%arg0: i32) -> (i32, i32) {
    %c0_i32 = arith.constant 0 : i32
    %c0_i32_0 = arith.constant 0 : i32
    return %arg0, %c0_i32 : i32, i32
  }
}

</mosaic_0001>

<sc_bundles>
// kernel: kernel.5.cloned.1.call-start
scs
__scs_entry_jumppad:
0x0: {  	(pc) =	sbr.rel $0x88, $3  }
0x1: {  	(tag) =	ssettag $0x0;
	lr =	simm.s32 $0x1  }
0x2: {  	[smem:$0x3F9C] =	sst lr;
	_ =	strace $0xD0000000  }
0x3: {  	_ = 	snop  }
0x4: {  	_ = 	snop  }
0x5: {  	_ = 	snop  }
0x6: {  	_ = 	snop  }
0x7: {  	_ = 	snop  }
__scs_overlays_trampoline_lowered:
0x8: {  	[smem:$0x3FAB] =	sst s0  }
0x9: {  	[smem:$0x3FAC] =	sst s1  }
0xa: {  	[smem:$0x3FAD] =	sst s2  }
0xb: {  	[smem:$0x3FAE] =	sst s3  }
0xc: {  	[smem:$0x3FAF] =	sst s4  }
0xd: {  	[smem:$0x3FB0] =	sst s5  }
0xe: {  	[smem:$0x3FB1] =	sst s6  }
0xf: {  	[smem:$0x3FB2] =	sst s7  }
0x10: {  	[smem:$0x3FB3] =	sst s8  }
0x11: {  	[smem:$0x3FB4] =	sst s9;
	s0 =	simm.s32 @!p0 $0x0  }
0x12: {  	s1 =	sld [smem:$0x3F9A];
	s0 =	simm.s32 @p0 $0x1  }
0x13: {  	[smem:$0x3FB5] =	sst s0;
	s0 =	simm.s32 @!p1 $0x0  }
0x14: {  	s2 =	sld [smem:$0x3F99];
	s0 =	simm.s32 @p1 $0x1  }
0x15: {  	[smem:$0x3FB6] =	sst s0;
	s0 =	simm.s32 @!p2 $0x0  }
0x16: {  	s3 =	sld [smem:$0x3FDB];
	s0 =	simm.s32 @p2 $0x1  }
0x17: {  	s4 =	simm.s32 $0x1BF5;
	[smem:$0x3FB8] =	sst s0  }
0x18: {  	s0 =	sld [smem:$0x3F9B];
	_ =	swait.ge [sflag:s4], $0x0  }
0x19: {  	s7 =	sld [smem:$0x3F9C]  }
0x1a: {  	s8 =	sadd.s32 $0xFFFFE003, lr  }
0x1b: {  	s9 =	sadd.s32 $0xFFFFFEF7, lr;
	s5 =	simm.s32 $0xFFFFFFFF;
	p2 =	slt.u32 s8, $0xFFFFF086  }
0x1c: {  	p1 =	slt.u32 s9, $0xF7A;
	s5 =	simm.s32 @!p2 $0x0  }
0x1d: {  	s5 =	simm.s32 @p1 $0x1;
	p0 =	seq.s32 s7, s2  }
0x1e: {  	s7 =	smul.u32 @!p0 $0xF7A, s2;
	p2 =	seq.s32 @!p0 s5, $0x0  }
0x1f: {  	s9 =	smul.u32 $0xF7A, s1;
	s8 =	simm.s32 @!p0 $0x1BF5;
	p2 =	por !p2, p0  }
0x20: {  	[sflag:s8] =	ssyncset.s32 @!p0 $0xFFFFF086;
	s6 =	sadd.s32 @!p0 s3, s7;
	s7 =	simm.s32 @!p0 $0x108  }
0x21: {  	s3 =	sadd.s32 s3, s9;
	s6 =	sadd.s32 @!p0 $0x88, s6;
	s7 =	simm.s32 @p2 $0x1082  }
0x22: {  	[simem:s7], [sflag:s8] =	dma.local @!p0 [hbm:s6], $0xF7A  }
0x23: {  	s9 =	sor.u32 $0xD0000000, s2;
	s6 =	simm.s32 $0x108;
	_ =	swait.ge @!p0 [sflag:s8], $0x0  }
0x24: {  	s3 =	sadd.s32 $0x88, s3;
	s6 =	simm.s32 @!p1 $0x1082;
	[sflag:s4] =	ssyncset.s32 $0xFFFFF086  }
0x25: {  	[simem:s6], [sflag:s4] =	dma.local [hbm:s3], $0xF7A  }
0x26: {  	[smem:$0x3F9C] =	sst s1;
	(tag) =	ssettag s2;
	_ =	strace s9  }
0x27: {  	s1 =	sld [smem:$0x3FAC]  }
0x28: {  	s2 =	sld [smem:$0x3FAD]  }
0x29: {  	s4 =	sld [smem:$0x3FAF]  }
0x2a: {  	p0 =	seq.s32 s5, $0x0;
	s5 =	sld [smem:$0x3FB0]  }
0x2b: {  	s6 =	sld [smem:$0x3FB1]  }
0x2c: {  	s7 =	sld [smem:$0x3FB2]  }
0x2d: {  	s3 =	simm.s32 $0x108;
	s8 =	sld [smem:$0x3FB3]  }
0x2e: {  	s3 =	simm.s32 @!p0 $0x1082;
	s9 =	sld [smem:$0x3FB4]  }
0x2f: {  	lr =	sadd.s32 s0, s3;
	s0 =	sld [smem:$0x3FAB]  }
0x30: {  	s3 =	sld [smem:$0x3FAE]  }
0x31: {  	[smem:$0x3FB7] =	sst s10  }
0x32: {  	s10 =	sld [smem:$0x3FB5];
	_ =	sdelay $0x3  }
0x33: {  	p0 =	seq.s32 s10, $0x1;
	s10 =	sld [smem:$0x3FB7];
	_ =	sdelay $0x3  }
0x34: {  	[smem:$0x3FB7] =	sst s10  }
0x35: {  	s10 =	sld [smem:$0x3FB6];
	_ =	sdelay $0x3  }
0x36: {  	p1 =	seq.s32 s10, $0x1;
	s10 =	sld [smem:$0x3FB7];
	_ =	sdelay $0x3  }
0x37: {  	[smem:$0x3FB7] =	sst s10  }
0x38: {  	s10 =	sld [smem:$0x3FB8]  }
0x39: {  	_ = 	snop;
	(pc) =	sbr.ind lr, $3  }
0x3a: {  	_ = 	snop  }
0x3b: {  	_ = 	snop  }
0x3c: {  	p2 =	seq.s32 s10, $0x1;
	s10 =	sld [smem:$0x3FB7]  }
0x3d: {  	_ =	shalt  }
0x3e: {  	_ =	shalt  }
0x3f: {  	_ =	shalt  }
0x40: {  	_ =	shalt  }
0x41: {  	_ =	shalt  }
0x42: {  	_ =	shalt  }
0x43: {  	_ =	shalt  }
0x44: {  	_ =	shalt  }
0x45: {  	_ =	shalt  }
0x46: {  	_ =	shalt  }
0x47: {  	_ =	shalt  }
0x48: {  	_ =	shalt  }
0x49: {  	_ =	shalt  }
0x4a: {  	_ =	shalt  }
0x4b: {  	_ =	shalt  }
0x4c: {  	_ =	shalt  }
0x4d: {  	_ =	shalt  }
0x4e: {  	_ =	shalt  }
0x4f: {  	_ =	shalt  }
0x50: {  	_ =	shalt  }
0x51: {  	_ =	shalt  }
0x52: {  	_ =	shalt  }
0x53: {  	_ =	shalt  }
0x54: {  	_ =	shalt  }
0x55: {  	_ =	shalt  }
0x56: {  	_ =	shalt  }
0x57: {  	_ =	shalt  }
0x58: {  	_ =	shalt  }
0x59: {  	_ =	shalt  }
0x5a: {  	_ =	shalt  }
0x5b: {  	_ =	shalt  }
0x5c: {  	_ =	shalt  }
0x5d: {  	_ =	shalt  }
0x5e: {  	_ =	shalt  }
0x5f: {  	_ =	shalt  }
0x60: {  	_ =	shalt  }
0x61: {  	_ =	shalt  }
0x62: {  	_ =	shalt  }
0x63: {  	_ =	shalt  }
0x64: {  	_ =	shalt  }
0x65: {  	_ =	shalt  }
0x66: {  	_ =	shalt  }
0x67: {  	_ =	shalt  }
0x68: {  	_ =	shalt  }
0x69: {  	_ =	shalt  }
0x6a: {  	_ =	shalt  }
0x6b: {  	_ =	shalt  }
0x6c: {  	_ =	shalt  }
0x6d: {  	_ =	shalt  }
0x6e: {  	_ =	shalt  }
0x6f: {  	_ =	shalt  }
0x70: {  	_ =	shalt  }
0x71: {  	_ =	shalt  }
0x72: {  	_ =	shalt  }
0x73: {  	_ =	shalt  }
0x74: {  	_ =	shalt  }
0x75: {  	_ =	shalt  }
0x76: {  	_ =	shalt  }
0x77: {  	_ =	shalt  }
0x78: {  	_ =	shalt  }
0x79: {  	_ =	shalt  }
0x7a: {  	_ =	shalt  }
0x7b: {  	_ =	shalt  }
0x7c: {  	_ =	shalt  }
0x7d: {  	_ =	shalt  }
0x7e: {  	_ =	shalt  }
0x7f: {  	_ =	shalt  }
0x80: {  	_ =	shalt  }
0x81: {  	_ =	shalt  }
0x82: {  	_ =	shalt  }
0x83: {  	_ =	shalt  }
0x84: {  	_ =	shalt  }
0x85: {  	_ =	shalt  }
0x86: {  	_ =	shalt  }
0x87: {  	_ =	shalt  }
.Lfunc_end0:
.L_simem_size_0:
called_computation_lowered:
.L_overlay_start_0:
0x88: {  	s2 =	sld [smem:$0x3FD9]  }
0x89: {  	s3 =	sld [smem:$0x3FFE];
	_ =	sdelay $0x1  }
0x8a: {  	s1 =	srdreg.scid  }
0x8b: {  	s0 =	sand.u32 $0x1, s1  }
0x8c: {  	s17 =	sshll.u32 s0, $0xA;
	s2 =	sadd.s32 s3, s2  }
0x8d: {  	s2 =	sadd.s32 s2, s17  }
0x8e: {  	[smem:$0x3FC3] =	sst s2  }
0x8f: {  	_ = 	snop  }
0x90: {  	s2 =	sld [smem:$0x3FD0];
	(tm) =	ssettm $0x1  }
0x91: {  	s18 =	sld [smem:$0x3FFB];
	_ =	sdelay $0x3  }
0x92: {  	_ =	strace s18  }
0x93: {  	s3 =	sld [smem:$0x3FFC];
	_ =	sdelay $0x3  }
0x94: {  	_ =	strace s3  }
0x95: {  	s3 =	sld [smem:$0x3FFD];
	_ =	sdelay $0x3  }
0x96: {  	_ =	strace s3  }
0x97: {  	_ =	strace $0x8FFFFFFF  }
0x98: {  	s19 =	sld [smem:$0x3FDB];
	_ =	sdelay $0x1  }
0x99: {  	s4 =	simm.s32 $_scs_section_size  }
0x9a: {  	s5 =	simm.s32 $_size__tile_overlayer_lowered;
	s6 =	simm.s32 $_tile_overlayer_lowered  }
0x9b: {  	s22 =	simm.s32 $0x1BFF;
	s21 =	sshll.u32 s6, $0x1;
	s3 =	sadd.s32 s4, s19  }
0x9c: {  	s7 =	simm.s32 $0x0;
	s20 =	sshll.u32 s5, $0x1;
	s5 =	sadd.s32 s21, s3  }
0x9d: {  	[timem:s7], [sflag:s22] =	dma.local [hbm:s5], s20  }
0x9e: {  	_ =	swait.ge [sflag:s22], s20  }
0x9f: {  	s4 =	ssub.s32 $0x0, s20;
	[sflag:s22] =	ssyncset.done $0x0  }
0xa0: {  	[sflag:s22] =	ssyncadd.s32 s4;
	_ =	sdelay $0x1  }
0xa1: {  	s23 =	simm.s32 $0x1B8B  }
0xa2: {  	_ =	swait.ge [sflag:s23], $0x1  }
0xa3: {  	[sflag:s23] =	ssyncset.done $0x0  }
0xa4: {  	s25 =	simm.s32 $0x1B8E;
	s24 =	sld [smem:$0x3FFE];
	[sflag:s23] =	ssyncadd.s32 $0xFFFFFFFF  }
0xa5: {  	s26 =	simm.s32 $execute0_lowered;
	[smem:$0x3FD2] =	sst s25  }
0xa6: {  	s5 =	sshll.u32 s26, $0x1;
	_ =	strace $0x80000046;
	[dreg:$0x1] =	wrdreg $0xFFFFFFFF  }
0xa7: {  	s28 =	simm.s32 $_size_execute0_lowered;
	s3 =	sadd.s32 s3, s5;
	[dreg:$0x0] =	wrdreg $0x0  }
0xa8: {  	s5 =	sshll.u32 s28, $0x1;
	[dreg:$0x2] =	wrdreg s3  }
0xa9: {  	[dreg:$0x3] =	wrdreg s5  }
0xaa: {  	[dreg:$0x4] =	wrdreg $0xC0  }
0xab: {  	_ =	task [dreg:s7], $0x5FFFF  }
0xac: {  	[dreg:$0x1] =	wrdreg $0xFFFFFFFF  }
0xad: {  	[dreg:$0x0] =	wrdreg $0x60  }
0xae: {  	[dreg:$0x2] =	wrdreg s24  }
0xaf: {  	[dreg:$0x3] =	wrdreg s2  }
0xb0: {  	[dreg:$0x4] =	wrdreg $0xC0800  }
0xb1: {  	[dreg:$0x5] =	wrdreg $0x9  }
0xb2: {  	_ =	task.clear_ibuf [dreg:s7], $0x6FFFF;
	_ =	strace $0x90000046  }
0xb3: {  	s29 =	simm.s32 $0x9;
	_ =	strace $0x80000048  }
0xb4: {  	_ =	swait.ge [sflag:s29], $0x1  }
0xb5: {  	[sflag:s29] =	ssyncadd.s32 $0xFFFFFFFF  }
0xb6: {  	_ =	strace $0x90000048  }
0xb7: {  	_ =	sfence  }
0xb8: {  	s30 =	sld [smem:$0x0];
	_ =	sdelay $0x2  }
0xb9: {  	s31 =	sshll.u32 s1, $0xD;
	s1 =	sshrl.u32 s1, $0x2  }
0xba: {  	s3 =	sand.u32 $0x4000, s31;
	s1 =	sadd.s32 s1, s30  }
0xbb: {  	s0 =	sor.u32 s3, s0;
	s1 =	sshll.u32 s1, $0x11  }
0xbc: {  	s0 =	sor.u32 s1, s0  }
0xbd: {  	s0 =	sadd.s32 $0x8F2B, s0  }
0xbe: {  	[sflag:s0] =	ssyncadd.remote.s32 $0x1  }
0xbf: {  	_ =	sfence.sel $0xFFFF  }
0xc0: {  	[dreg:$0x0] =	wrdreg $0xFFFFFFFF;
	(pc) =	sbr.abs _section_cstart, $3  }
0xc1: {  	[dreg:$0x1] =	wrdreg $0xFFFFFFFF  }
0xc2: {  	_ =	task.clear_ibuf [dreg:s7], $0x2FFFF;
	_ =	strace $0x9FFFFFFF  }
0xc3: {  	(tm) =	ssettm $0x7FFFFFFF  }
tec
execute0_lowered:
.L_overlay_start_1:
0x0: {  	(tag) =	ssettag $0x1  }
0x1: {  	s0 =	rddreg [dreg:$0x0]  }
0x2: {  	s1 =	rddreg [dreg:$0x1]  }
0x3: {  	s2 =	rddreg [dreg:$0x2]  }
0x4: {  	s3 =	srdreg.scid;
	s5 =	simm.s32 $0x0;
	s6 =	stileid.u32  }
0x5: {  	s9 =	simm.s32 $0x1;
	s28 =	simm.s32 $0x2080;
	s29 =	simm.s32 $0x4880  }
0x6: {  	s30 =	simm.s32 $0x7080;
	s31 =	simm.s32 $0x2;
	s3 =	sand.u32 $0x1, s3  }
0x7: {  	[smem:$0x7FF] =	sst s5;
	s8 =	sand.u32 $0x7, s6;
	s7 =	smul.u32 $0x2700, s6  }
0x8: {  	s5 =	sadd.s32 $0x4CA00, s0;
	s15 =	sadd.s32 $0x1A00, s0;
	s17 =	smul.u32 $0x4E000, s6  }
0x9: {  	s21 =	sadd.s32 $0x134900, s0;
	s24 =	sadd.s32 $0x15BB00, s0;
	s4 =	sshll.u32 s3, $0x4  }
0xa: {  	_ =	strace $0x80000047;
	p1 =	sne.s32 s8, $0x0;
	s10 =	smul.u32 $0x9C40, s8  }
0xb: {  	s11 =	ssub.s32 $0x2, s3;
	s8 =	smul.u32 $0x12C00, s8;
	[dreg:$0x8] =	wrdreg s21  }
0xc: {  	[dreg:$0xd] =	wrdreg s24;
	s4 =	sor.u32 s6, s4;
	s12 =	sadd.s32 s7, s0  }
0xd: {  	s18 =	sshrl.u32 s11, $0x1;
	s7 =	simm.s32 $0x1;
	s0 =	sadd.s32 $0x182D00, s0  }
0xe: {  	p0 =	seq.s32 s4, $0x0;
	s4 =	sshrl.u32 s4, $0x3;
	s14 =	ssub.s32 s11, s18  }
0xf: {  	s19 =	sadd.s32 $0x110000, s12;
	s22 =	sadd.s32 $0x137200, s12;
	[dreg:$0xf] =	wrdreg s0  }
0x10: {  	s11 =	smov.u32 s15;
	s25 =	sadd.s32 $0x15E400, s12;
	[dreg:$0x6] =	wrdreg s19  }
0x11: {  	s12 =	simm.s32 $0x6;
	p0 =	por !p1, !p0;
	[dreg:$0xb] =	wrdreg s22  }
0x12: {  	[dreg:$0xe] =	wrdreg s25;
	p1 =	seq.s32 s3, $0x1;
	s26 =	smax.u32 s14, $0x1  }
0x13: {  	s25 =	simm.s32 $0x3;
	s14 =	simm.s32 $0x7;
	p0 =	por !p0, !p0  }
0x14: {  	[dreg:$0x10] =	wrdreg s26;
	p2 =	seq.s32 @p1 s6, $0xF;
	p4 =	seq.s32 @!p1 s6, $0xF  }
0x15: {  	s26 =	simm.s32 $0x50;
	s9 =	simm.s32 @!p0 $0x0;
	p0 =	seq.s32 s6, $0xF  }
0x16: {  	p3 =	por !p2, !p1;
	p2 =	por p2, !p1;
	s4 =	ssub.s32 s4, s9  }
0x17: {  	s9 =	sshrl.u32 s17, $0x2;
	s17 =	sadd.s32 $0x124800, s2;
	s13 =	smul.u32 $0x4E200, s4  }
0x18: {  	s4 =	smul.u32 $0x96000, s4;
	[dreg:$0x7] =	wrdreg s17;
	s0 =	sshrl.u32 @p0 s17, $0x3  }
0x19: {  	s16 =	sadd.s32 s9, s2;
	[dreg:$0x11] =	wrdreg s0;
	s0 =	sshll.u32 @!p0 s6, $0x6  }
0x1a: {  	[dreg:$0x5] =	wrdreg s16;
	s20 =	sadd.s32 s10, s13;
	s4 =	sadd.s32 s8, s4  }
0x1b: {  	s0 =	sor.u32 @!p0 $0x1C0A, s0;
	s8 =	simm.s32 $0x0;
	[dreg:$0x9] =	wrdreg s20  }
0x1c: {  	s9 =	sshrl.u32 s20, $0x3;
	s13 =	smov.u32 s4;
	s4 =	sshrl.u32 s4, $0x3  }
0x1d: {  	[dreg:$0x12] =	wrdreg s0;
	s0 =	sshrl.u32 @!p0 s16, $0x3;
	s16 =	simm.s32 $0x9  }
0x1e: {  	s1 =	sadd.s32 s1, s9;
	s23 =	sadd.s32 s15, s4;
	[dreg:$0x13] =	wrdreg s0  }
.Ltmp0:
0x1f: {  	s0 =	simm.s32 @!p3 $0x0;
	s4 =	simm.s32 $0x5;
	(pc) =	sbr.rel .LBB2_1-.Ltmp0, $4  }
0x20: {  	[dreg:$0xa] =	wrdreg s1;
	s0 =	simm.s32 @p3 $0x1;
	p3 =	por !p4, p1  }
0x21: {  	s9 =	simm.s32 $0x4;
	[smem:$0x7FC] =	sst s0;
	s0 =	simm.s32 @!p3 $0x0  }
0x22: {  	s15 =	simm.s32 $0x8;
	[dreg:$0xc] =	wrdreg s23;
	s0 =	simm.s32 @p3 $0x1  }
0x23: {  	p4 =	por p4, p1;
	[smem:$0x7FD] =	sst s0;
	s0 =	simm.s32 $0x9880  }
.LBB2_6:
0x24: {  	_ =	swait.ge [sflag:s4], $0x2800  }
0x25: {  	[sflag:s4] =	ssyncset.done $0x0  }
0x26: {  	[sflag:s4] =	ssyncadd.s32 $0xFFFFD800  }
0x27: {  	_ =	swait.ge [sflag:s12], $0x2800  }
0x28: {  	[sflag:s12] =	ssyncset.done $0x0  }
0x29: {  	[sflag:s12] =	ssyncadd.s32 $0xFFFFD800  }
0x2a: {  	_ =	swait.ge [sflag:s14], $0x2800  }
0x2b: {  	[sflag:s14] =	ssyncset.done $0x0  }
0x2c: {  	[sflag:s14] =	ssyncadd.s32 $0xFFFFD800  }
0x2d: {  	_ =	swait.ge [sflag:s15], $0x2800  }
0x2e: {  	[sflag:s15] =	ssyncset.done $0x0  }
0x2f: {  	[sflag:s15] =	ssyncadd.s32 $0xFFFFD800  }
0x30: {  	[bflag:$0x0] =	sbarrier.arrive $0xFFFF  }
0x31: {  	s1 =	sld [smem:$0x7FC];
	_ =	sdelay $0x2  }
0x32: {  	s6 =	rddreg [dreg:$0x7];
	p1 =	seq.s32 s1, $0x1  }
0x33: {  	s8 =	rddreg [dreg:$0xf];
	s1 =	sshrl.u32 @!p1 s6, $0x3;
	s3 =	simm.s32 @!p1 $0x1FCA  }
0x34: {  	[hbm:s8], [sflag:s3] =	dma.local @!p1 [spmem:s1], $0x2800  }
0x35: {  	s1 =	simm.s32 @!p1 $0xA  }
0x36: {  	_ =	swait.ge @!p1 [sflag:s1], $0x2800  }
0x37: {  	s8 =	stileid.u32;
	s10 =	rddreg [dreg:$0x5]  }
0x38: {  	s3 =	sshll.u32 @!p2 s8, $0x6;
	[sflag:s1] =	ssyncset.done @!p1 $0x0;
	s17 =	rddreg [dreg:$0xe]  }
0x39: {  	[sflag:s1] =	ssyncadd.s32 @!p1 $0xFFFFD800;
	s1 =	sor.u32 @!p2 $0x1C0A, s3;
	s3 =	sshrl.u32 @!p2 s10, $0x3  }
0x3a: {  	[hbm:s17], [sflag:s1] =	dma.local @!p2 [spmem:s3], $0x2700  }
0x3b: {  	s1 =	simm.s32 @!p2 $0xA  }
0x3c: {  	_ =	swait.ge @!p2 [sflag:s1], $0x2700  }
0x3d: {  	s22 =	sld [smem:$0x7FD];
	_ =	sdelay $0x1  }
0x3e: {  	[sflag:s1] =	ssyncset.done @!p2 $0x0  }
0x3f: {  	[sflag:s1] =	ssyncadd.s32 @!p2 $0xFFFFD900;
	p1 =	seq.s32 s22, $0x1  }
0x40: {  	s1 =	sshrl.u32 @!p1 s6, $0x3;
	s3 =	simm.s32 @!p1 $0x1FCA;
	s6 =	rddreg [dreg:$0xd]  }
0x41: {  	[hbm:s6], [sflag:s3] =	dma.local @!p1 [spmem:s1], $0x2800  }
0x42: {  	s1 =	simm.s32 @!p1 $0xA  }
0x43: {  	_ =	swait.ge @!p1 [sflag:s1], $0x2800  }
0x44: {  	s3 =	sshll.u32 @!p4 s8, $0x6;
	[sflag:s1] =	ssyncset.done @!p1 $0x0;
	s8 =	rddreg [dreg:$0xb]  }
0x45: {  	[sflag:s1] =	ssyncadd.s32 @!p1 $0xFFFFD800;
	s1 =	sor.u32 @!p4 $0x1C0A, s3;
	s3 =	sshrl.u32 @!p4 s10, $0x3  }
0x46: {  	[hbm:s8], [sflag:s1] =	dma.local @!p4 [spmem:s3], $0x2700  }
0x47: {  	s1 =	simm.s32 @!p4 $0xA  }
0x48: {  	_ =	swait.ge @!p4 [sflag:s1], $0x2700  }
0x49: {  	s23 =	rddreg [dreg:$0x14]  }
0x4a: {  	s24 =	rddreg [dreg:$0x10];
	s8 =	sadd.s32 $0x1, s23  }
0x4b: {  	p1 =	sne.s32 s8, s24  }
.Ltmp1:
0x4c: {  	_ = 	snop;
	(pc) =	sbr.rel @!p1 .LBB2_7-.Ltmp1, $3  }
0x4d: {  	_ =	sdelay $0x1  }
0x4e: {  	[sflag:s1] =	ssyncset.done @!p4 $0x0  }
0x4f: {  	s6 =	stileid.u32;
	[sflag:s1] =	ssyncadd.s32 @!p4 $0xFFFFD900  }
.LBB2_1:
0x50: {  	[dreg:$0x14] =	wrdreg s8  }
0x51: {  	s1 =	rddreg [dreg:$0x8]  }
0x52: {  	s3 =	simm.s32 @p0 $0x1FCA;
	s6 =	rddreg [dreg:$0x11]  }
0x53: {  	[spmem:s6], [sflag:s3] =	dma.local @p0 [hbm:s1], $0x2800  }
0x54: {  	s3 =	simm.s32 @p0 $0xA  }
0x55: {  	_ =	swait.ge @p0 [sflag:s3], $0x2800  }
0x56: {  	s1 =	rddreg [dreg:$0x6]  }
0x57: {  	[sflag:s3] =	ssyncset.done @p0 $0x0;
	s6 =	rddreg [dreg:$0x13]  }
0x58: {  	[sflag:s3] =	ssyncadd.s32 @p0 $0xFFFFD800;
	s3 =	rddreg [dreg:$0x12]  }
0x59: {  	[spmem:s6], [sflag:s3] =	dma.local @!p0 [hbm:s1], $0x2700  }
0x5a: {  	s3 =	simm.s32 @!p0 $0xA  }
0x5b: {  	_ =	swait.ge @!p0 [sflag:s3], $0x2700  }
0x5c: {  	s20 =	simm.s32 $0x0;
	[sflag:s3] =	ssyncset.done @!p0 $0x0  }
0x5d: {  	s22 =	simm.s32 $0xA;
	s21 =	rddreg [dreg:$0xa];
	[sflag:s3] =	ssyncadd.s32 @!p0 $0xFFFFD900  }
0x5e: {  	[tilespmem:s20], [sflag:$0xA] =	stream.linear.gather [hbm4b:s21+s20], $0x640, $0x38;
	[tilespmem:$0x1F900] =	vst v63  }
0x5f: {  	_ =	swait.ge [sflag:s22], $0x640  }
0x60: {  	[sflag:s22] =	ssyncset.done $0x0  }
0x61: {  	s24 =	simm.s32 $0xC80;
	s23 =	rddreg [dreg:$0xc];
	[sflag:s22] =	ssyncadd.s32 $0xFFFFF9C0  }
0x62: {  	[tilespmem:s24], [sflag:$0xA] =	stream.linear.gather [hbm4b:s23+s20], $0xA00, $0x38;
	[tilespmem:$0x1F900] =	vst v63  }
0x63: {  	_ =	swait.ge [sflag:s22], $0xA00  }
0x64: {  	[sflag:s22] =	ssyncset.done $0x0  }
0x65: {  	p5 =	por $0x0, $0x0;
	[sflag:s22] =	ssyncadd.s32 $0xFFFFF600  }
0x66: {  	s10 =	simm.s32 $0x0;
	s3 =	simm.s32 $0x0;
	[bflag:$0x0] =	sbarrier.arrive $0xFFFF  }
.LBB2_2:
0x67: {  	s18 =	sadd.s32 $0x1, s10;
	p6 =	seq.s32 s10, $0x18  }
0x68: {  	s8 =	sand.u32 $0x1, s10;
	s19 =	smul.u32 @!p6 $0x640, s18  }
0x69: {  	s1 =	rddreg [dreg:$0x9];
	s20 =	sxor.u32 @!p6 $0x1, s8  }
0x6a: {  	s21 =	smul.u32 @!p6 $0x1900, s20;
	s19 =	sadd.s32 @!p6 s1, s19  }
0x6b: {  	s1 =	rddreg [dreg:$0x1];
	s19 =	sshrl.u32 @!p6 s19, $0x3  }
0x6c: {  	s22 =	simm.s32 @!p6 $0x0;
	s21 =	sshrl.u32 @!p6 s21, $0x2;
	s19 =	sadd.s32 @!p6 s1, s19  }
0x6d: {  	[tilespmem:s21], [sflag:$0x9] =	stream.linear.gather @!p6 [hbm4b:s19+s22], $0x640, $0x38;
	[tilespmem:$0x1F900] =	vst v63  }
0x6e: {  	s19 =	smul.u32 @!p6 $0xC00, s18  }
0x6f: {  	s20 =	smul.u32 @!p6 $0x2800, s20  }
0x70: {  	s19 =	sadd.s32 @!p6 s13, s19  }
0x71: {  	s20 =	sshrl.u32 @!p6 s20, $0x2;
	s19 =	sshrl.u32 @!p6 s19, $0x3  }
0x72: {  	s20 =	sadd.s32 @!p6 $0xC80, s20;
	s19 =	sadd.s32 @!p6 s11, s19  }
0x73: {  	[tilespmem:s20], [sflag:$0x9] =	stream.linear.gather @!p6 [hbm4b:s19+s22], $0xA00, $0x38;
	[tilespmem:$0x1F900] =	vst v63  }
0x74: {  	p1 =	seq.s32 @!p6 s10, $0x0;
	s19 =	smul.u32 $0x640, s8  }
0x75: {  	p1 =	por p6, !p1  }
0x76: {  	[tilespmem:s28], [sflag:$0x1] =	stream.indirect.gather @!p1 [hbm4b:s5+s26], $0x80, s19, s26, $0xb8;
	[tilespmem:$0x1F900] =	vst v63  }
0x77: {  	s21 =	simm.s32 $0x1;
	_ =	swait.ge @p1 [sflag:s4], $0x2800  }
0x78: {  	s21 =	simm.s32 @!p5 $0x0;
	[sflag:s4] =	ssyncset.done @p1 $0x0  }
0x79: {  	s17 =	smul.u32 $0x2800, s21;
	[sflag:s4] =	ssyncadd.s32 @p1 $0xFFFFD800  }
0x7a: {  	[tilespmem:s28], [sflag:$0x1] =	stream.indirect.gather @p1 [hbm4b:s5+s26], $0x80, s19, s26, $0xb8;
	[tilespmem:$0x1F900] =	vst v63  }
0x7b: {  	s24 =	smul.u32 $0x14, s10;
	_ =	swait.ge @p1 [sflag:s12], $0x2800  }
0x7c: {  	s1 =	sshrl.u32 s17, $0x2;
	[sflag:s12] =	ssyncset.done @p1 $0x0  }
0x7d: {  	s23 =	sadd.s32 $0x50, s19;
	[dreg:$0x4] =	wrdreg s24;
	[sflag:s12] =	ssyncadd.s32 @p1 $0xFFFFD800  }
0x7e: {  	[tilespmem:s29], [sflag:$0x2] =	stream.indirect.gather [hbm4b:s5+s26], $0x80, s23, s26, $0xb8;
	[tilespmem:$0x1F900] =	vst v63  }
0x7f: {  	s10 =	sadd.s32 $0xE00, s1;
	_ =	swait.ge [sflag:s7], $0x2800  }
0x80: {  	s20 =	simm.s32 $0x0;
	[sflag:s7] =	ssyncset.done $0x0;
	s6 =	rddreg [dreg:$0x4]  }
0x81: {  	s23 =	sadd.s32 $0xFFFFFE80, s10;
	[sflag:s7] =	ssyncadd.s32 $0xFFFFD800;
	s22 =	sor.u32 s6, s20  }
0x82: {  	[spmem:s2] =	stream.indirect.scatter.add.f32 [tilespmem:s28], [sflag:$0x5], $0x80, s23, s26, $0xb8;
	[tilespmem:$0x1F900] =	vst v63  }
0x83: {  	s21 =	smul.u32 $0x1900, s21;
	p1 =	seq.s32 s22, $0x0  }
0x84: {  	s22 =	simm.s32 @!p1 $0x7  }
0x85: {  	s21 =	sshrl.u32 s21, $0x2;
	_ =	swait.ge @!p1 [sflag:s22], $0x2800  }
0x86: {  	s24 =	sadd.s32 $0x0, s21;
	[sflag:s22] =	ssyncset.done @!p1 $0x0  }
0x87: {  	s17 =	sadd.s32 $0xA0, s24;
	[sflag:s22] =	ssyncadd.s32 @!p1 $0xFFFFD800  }
0x88: {  	[tilespmem:s30], [sflag:$0x3] =	stream.indirect.gather [hbm4b:s5+s26], $0x80, s17, s26, $0xb8;
	[tilespmem:$0x1F900] =	vst v63  }
0x89: {  	_ =	swait.ge [sflag:s31], $0x2800  }
0x8a: {  	p1 =	seq.s32 s3, $0x0;
	[sflag:s31] =	ssyncset.done $0x0  }
0x8b: {  	s1 =	sadd.s32 $0xFFFFFF00, s10;
	s23 =	simm.s32 @!p1 $0x8;
	[sflag:s31] =	ssyncadd.s32 $0xFFFFD800  }
0x8c: {  	[spmem:s2] =	stream.indirect.scatter.add.f32 [tilespmem:s29], [sflag:$0x6], $0x80, s1, s26, $0xb8;
	[tilespmem:$0x1F900] =	vst v63  }
0x8d: {  	_ =	swait.ge @!p1 [sflag:s23], $0x2800  }
0x8e: {  	[sflag:s23] =	ssyncset.done @!p1 $0x0  }
0x8f: {  	s6 =	sadd.s32 $0xF0, s24;
	[sflag:s23] =	ssyncadd.s32 @!p1 $0xFFFFD800  }
0x90: {  	[tilespmem:s0], [sflag:$0x4] =	stream.indirect.gather [hbm4b:s5+s26], $0x80, s6, s26, $0xb8;
	[tilespmem:$0x1F900] =	vst v63  }
0x91: {  	_ =	swait.ge [sflag:s25], $0x2800  }
0x92: {  	[sflag:s25] =	ssyncset.done $0x0  }
0x93: {  	s17 =	sadd.s32 $0xFFFFFF80, s10;
	[sflag:s25] =	ssyncadd.s32 $0xFFFFD800  }
0x94: {  	[spmem:s2] =	stream.indirect.scatter.add.f32 [tilespmem:s30], [sflag:$0x7], $0x80, s17, s26, $0xb8;
	[tilespmem:$0x1F900] =	vst v63  }
0x95: {  	_ =	swait.ge [sflag:s4], $0x2800  }
0x96: {  	[sflag:s4] =	ssyncset.done $0x0  }
0x97: {  	s23 =	sadd.s32 $0x140, s24;
	[sflag:s4] =	ssyncadd.s32 $0xFFFFD800  }
0x98: {  	[tilespmem:s28], [sflag:$0x1] =	stream.indirect.gather [hbm4b:s5+s26], $0x80, s23, s26, $0xb8;
	[tilespmem:$0x1F900] =	vst v63  }
0x99: {  	_ =	swait.ge [sflag:s9], $0x2800  }
0x9a: {  	[sflag:s9] =	ssyncset.done $0x0  }
0x9b: {  	s8 =	smul.u32 $0x2800, s8;
	s24 =	sadd.s32 $0x190, s24;
	[sflag:s9] =	ssyncadd.s32 $0xFFFFD800  }
0x9c: {  	[spmem:s2] =	stream.indirect.scatter.add.f32 [tilespmem:s0], [sflag:$0x8], $0x80, s10, s26, $0xb8;
	[tilespmem:$0x1F900] =	vst v63  }
0x9d: {  	s23 =	sshrl.u32 s8, $0x2;
	s8 =	simm.s32 $0x500;
	_ =	swait.ge [sflag:s12], $0x2800  }
0x9e: {  	s22 =	sadd.s32 $0x1600, s23;
	s10 =	sadd.s32 $0x200, s10;
	[sflag:s12] =	ssyncset.done $0x0  }
.LBB2_3:
0x9f: {  	[sflag:s12] =	ssyncadd.s32 $0xFFFFD800  }
0xa0: {  	[tilespmem:s29], [sflag:$0x2] =	stream.indirect.gather [hbm4b:s5+s26], $0x80, s24, s26, $0xb8;
	[tilespmem:$0x1F900] =	vst v63  }
0xa1: {  	_ =	swait.ge [sflag:s7], $0x2800  }
0xa2: {  	s20 =	sadd.s32 $0x1, s20;
	[sflag:s7] =	ssyncset.done $0x0;
	s1 =	rddreg [dreg:$0x4]  }
0xa3: {  	s6 =	sadd.s32 $0xFFFFFE80, s10;
	[sflag:s7] =	ssyncadd.s32 $0xFFFFD800;
	s1 =	sor.u32 s1, s20  }
0xa4: {  	[spmem:s2] =	stream.indirect.scatter.add.f32 [tilespmem:s28], [sflag:$0x5], $0x80, s6, s26, $0xb8;
	[tilespmem:$0x1F900] =	vst v63  }
0xa5: {  	p3 =	seq.s32 s1, $0x0  }
0xa6: {  	s17 =	smov.u32 s8;
	s1 =	simm.s32 @!p3 $0x7  }
0xa7: {  	s6 =	sshra.s32 s17, $0x2;
	_ =	swait.ge @!p3 [sflag:s1], $0x2800  }
0xa8: {  	s24 =	sadd.s32 s6, s21;
	[sflag:s1] =	ssyncset.done @!p3 $0x0  }
0xa9: {  	s6 =	sadd.s32 $0xA0, s24;
	[sflag:s1] =	ssyncadd.s32 @!p3 $0xFFFFD800  }
0xaa: {  	[tilespmem:s30], [sflag:$0x3] =	stream.indirect.gather [hbm4b:s5+s26], $0x80, s6, s26, $0xb8;
	[tilespmem:$0x1F900] =	vst v63  }
0xab: {  	_ =	swait.ge [sflag:s31], $0x2800  }
0xac: {  	p3 =	seq.s32 s3, s17;
	[sflag:s31] =	ssyncset.done $0x0  }
0xad: {  	s1 =	sadd.s32 $0xFFFFFF00, s10;
	s6 =	simm.s32 @!p3 $0x8;
	[sflag:s31] =	ssyncadd.s32 $0xFFFFD800  }
0xae: {  	[spmem:s2] =	stream.indirect.scatter.add.f32 [tilespmem:s29], [sflag:$0x6], $0x80, s1, s26, $0xb8;
	[tilespmem:$0x1F900] =	vst v63  }
0xaf: {  	_ =	swait.ge @!p3 [sflag:s6], $0x2800  }
0xb0: {  	[sflag:s6] =	ssyncset.done @!p3 $0x0  }
0xb1: {  	s17 =	sadd.s32 $0xF0, s24;
	[sflag:s6] =	ssyncadd.s32 @!p3 $0xFFFFD800  }
0xb2: {  	[tilespmem:s0], [sflag:$0x4] =	stream.indirect.gather [hbm4b:s5+s26], $0x80, s17, s26, $0xb8;
	[tilespmem:$0x1F900] =	vst v63  }
0xb3: {  	_ =	swait.ge [sflag:s25], $0x2800  }
0xb4: {  	[sflag:s25] =	ssyncset.done $0x0  }
0xb5: {  	s6 =	sadd.s32 $0xFFFFFF80, s10;
	[sflag:s25] =	ssyncadd.s32 $0xFFFFD800  }
0xb6: {  	[spmem:s2] =	stream.indirect.scatter.add.f32 [tilespmem:s30], [sflag:$0x7], $0x80, s6, s26, $0xb8;
	[tilespmem:$0x1F900] =	vst v63  }
0xb7: {  	_ =	swait.ge [sflag:s4], $0x2800  }
0xb8: {  	[sflag:s4] =	ssyncset.done $0x0  }
0xb9: {  	s8 =	sadd.s32 $0x500, s8;
	s17 =	sadd.s32 $0x140, s24;
	[sflag:s4] =	ssyncadd.s32 $0xFFFFD800  }
0xba: {  	[tilespmem:s28], [sflag:$0x1] =	stream.indirect.gather [hbm4b:s5+s26], $0x80, s17, s26, $0xb8;
	[tilespmem:$0x1F900] =	vst v63  }
0xbb: {  	p1 =	sne.s32 s8, $0x1400;
	_ =	swait.ge [sflag:s9], $0x2800  }
.Ltmp2:
0xbc: {  	[sflag:s9] =	ssyncset.done $0x0;
	(pc) =	sbr.rel @p1 .LBB2_3-.Ltmp2, $4  }
0xbd: {  	[sflag:s9] =	ssyncadd.s32 $0xFFFFD800  }
0xbe: {  	[spmem:s2] =	stream.indirect.scatter.add.f32 [tilespmem:s0], [sflag:$0x8], $0x80, s10, s26, $0xb8;
	[tilespmem:$0x1F900] =	vst v63  }
0xbf: {  	_ =	swait.ge [sflag:s12], $0x2800  }
0xc0: {  	s24 =	sadd.s32 $0x190, s24;
	s10 =	sadd.s32 $0x200, s10;
	[sflag:s12] =	ssyncset.done $0x0  }
0xc1: {  	[sflag:s12] =	ssyncadd.s32 $0xFFFFD800  }
0xc2: {  	[tilespmem:s29], [sflag:$0x2] =	stream.indirect.gather [hbm4b:s5+s26], $0x80, s24, s26, $0xb8;
	[tilespmem:$0x1F900] =	vst v63  }
0xc3: {  	_ =	swait.ge [sflag:s7], $0x2800  }
0xc4: {  	[sflag:s7] =	ssyncset.done $0x0  }
0xc5: {  	s1 =	sadd.s32 $0x1480, s23;
	[sflag:s7] =	ssyncadd.s32 $0xFFFFD800  }
0xc6: {  	[spmem:s2] =	stream.indirect.scatter.add.f32 [tilespmem:s28], [sflag:$0x5], $0x80, s1, s26, $0xb8;
	[tilespmem:$0x1F900] =	vst v63  }
0xc7: {  	_ =	swait.ge [sflag:s14], $0x2800  }
0xc8: {  	[sflag:s14] =	ssyncset.done $0x0  }
0xc9: {  	s17 =	sadd.s32 $0x5A0, s19;
	[sflag:s14] =	ssyncadd.s32 $0xFFFFD800  }
0xca: {  	[tilespmem:s30], [sflag:$0x3] =	stream.indirect.gather [hbm4b:s5+s26], $0x80, s17, s26, $0xb8;
	[tilespmem:$0x1F900] =	vst v63  }
0xcb: {  	_ =	swait.ge [sflag:s31], $0x2800  }
0xcc: {  	[sflag:s31] =	ssyncset.done $0x0  }
0xcd: {  	s20 =	sadd.s32 $0x1500, s23;
	[sflag:s31] =	ssyncadd.s32 $0xFFFFD800  }
0xce: {  	[spmem:s2] =	stream.indirect.scatter.add.f32 [tilespmem:s29], [sflag:$0x6], $0x80, s20, s26, $0xb8;
	[tilespmem:$0x1F900] =	vst v63  }
0xcf: {  	_ =	swait.ge [sflag:s15], $0x2800  }
0xd0: {  	[sflag:s15] =	ssyncset.done $0x0  }
0xd1: {  	s21 =	sadd.s32 $0x5F0, s19;
	[sflag:s15] =	ssyncadd.s32 $0xFFFFD800  }
0xd2: {  	[tilespmem:s0], [sflag:$0x4] =	stream.indirect.gather [hbm4b:s5+s26], $0x80, s21, s26, $0xb8;
	[tilespmem:$0x1F900] =	vst v63  }
0xd3: {  	_ =	swait.ge [sflag:s25], $0x2800  }
0xd4: {  	[sflag:s25] =	ssyncset.done $0x0  }
0xd5: {  	s24 =	sadd.s32 $0x1580, s23;
	[sflag:s25] =	ssyncadd.s32 $0xFFFFD800  }
0xd6: {  	[spmem:s2] =	stream.indirect.scatter.add.f32 [tilespmem:s30], [sflag:$0x7], $0x80, s24, s26, $0xb8;
	[tilespmem:$0x1F900] =	vst v63  }
.Ltmp3:
0xd7: {  	_ = 	snop;
	(pc) =	sbr.rel @p6 .LBB2_6-.Ltmp3, $4  }
0xd8: {  	_ =	swait.ge [sflag:s9], $0x2800  }
0xd9: {  	[sflag:s9] =	ssyncset.done $0x0  }
0xda: {  	[sflag:s9] =	ssyncadd.s32 $0xFFFFD800  }
0xdb: {  	[spmem:s2] =	stream.indirect.scatter.add.f32 [tilespmem:s0], [sflag:$0x8], $0x80, s22, s26, $0xb8;
	[tilespmem:$0x1F900] =	vst v63  }
0xdc: {  	_ =	swait.ge [sflag:s16], $0x640  }
.Ltmp4:
0xdd: {  	[sflag:s16] =	ssyncset.done $0x0;
	(pc) =	sbr.rel .LBB2_2-.Ltmp4, $4  }
0xde: {  	[sflag:s16] =	ssyncadd.s32 $0xFFFFF9C0  }
0xdf: {  	_ =	swait.ge [sflag:s16], $0xA00  }
0xe0: {  	p5 =	por !p5, !p5;
	[sflag:s16] =	ssyncset.done $0x0  }
0xe1: {  	s3 =	sadd.s32 $0xFFFFE700, s3;
	s10 =	smov.u32 s18;
	[sflag:s16] =	ssyncadd.s32 $0xFFFFF600  }
.LBB2_7:
0xe2: {  	_ =	sfence.sel $0x180000  }
0xe3: {  	[bflag:$0x0] =	sbarrier.arrive $0xFFFF  }
0xe4: {  	_ =	strace $0x90000047  }
0xe5: {  	[bflag:$0x2] =	sbarrier.arrive $0xFFFF  }
0xe6: {  	p0 =	sne.s32 s6, $0x0;
	s0 =	rddreg [dreg:$0x3]  }
0xe7: {  	s0 =	sadd.s32 @!p0 $0x100000, s0  }
0xe8: {  	[sflag:s0] =	ssyncadd.tile.s32 @!p0 $0x1;
	_ =	shalt  }
.Lfunc_end2:
_tile_overlayer_lowered:
.L_overlay_start_2:
0xe9: {  	(tag) =	ssettag $0x2  }
0xea: {  	s0 =	rddreg [dreg:$0x0];
	s2 =	stileid.u32  }
0xeb: {  	s1 =	rddreg [dreg:$0x1];
	p0 =	sne.s32 s2, $0x0  }
0xec: {  	s3 =	rddreg [dreg:$0x2];
	[bflag:$0x3] =	sbarrier.arrive $0xFFFF;
	s2 =	simm.s32 @!p0 $0x1C0A  }
0xed: {  	[timem:s3], [sflag:s2] =	dma.local @!p0 [hbm:s0], s1  }
0xee: {  	s0 =	simm.s32 @!p0 $0xA  }
0xef: {  	_ =	swait.ge @!p0 [sflag:s0], s1  }
0xf0: {  	s1 =	ssub.s32 @!p0 $0x0, s1;
	[sflag:s0] =	ssyncset.done @!p0 $0x0  }
0xf1: {  	[sflag:s0] =	ssyncadd.s32 @!p0 s1  }
0xf2: {  	[bflag:$0x3] =	sbarrier.arrive $0xFFFF  }
0xf3: {  	_ =	shalt  }

</sc_bundles>
